<compile_context>
chip_gen: v7x
topology: tpu7x:2x2x1
jax: 0.10.2.dev20260603
libtpu: 0.0.44.dev20260713+nightly
codegen_flags: <defaults>
</compile_context>

<pallas_src>
import functools

import jax
import jax.numpy as jnp
from jax import lax
from jax.experimental import pallas as pl
from jax.experimental.pallas import tpu as pltpu
from jax.experimental.pallas import tpu_sc as plsc

_NC = 2
_NS = 16
_K = 40
_DD = 16


def _linear_relu(x, Wt, b2, blk=2000):
    N, D = x.shape

    def body(x_ref, wt_ref, b_ref, o_ref):
        h = jnp.dot(x_ref[...], wt_ref[...], preferred_element_type=jnp.float32)
        o_ref[...] = jnp.maximum(h + b_ref[...], 0.0)

    return pl.pallas_call(
        body,
        grid=(N // blk,),
        in_specs=[
            pl.BlockSpec((blk, D), lambda i: (i, 0)),
            pl.BlockSpec((D, D), lambda i: (0, 0)),
            pl.BlockSpec((1, D), lambda i: (0, 0)),
        ],
        out_specs=pl.BlockSpec((blk, D), lambda i: (i, 0)),
        out_shape=jax.ShapeDtypeStruct((N, D), jnp.float32),
    )(x, Wt, b2)


def _sc_aggregate(xt, e4, zeros, ones, N, D, chunks):
    mesh = plsc.VectorSubcoreMesh(core_axis_name="c", subcore_axis_name="s",
                                  num_cores=_NC)
    rows_per_tile = (N // _NS) // 8 * 8
    tail_base = rows_per_tile * _NS
    tail_rows = N - tail_base

    @functools.partial(
        pl.kernel,
        mesh=mesh,
        compiler_params=pltpu.CompilerParams(use_tc_tiling_on_sc=False),
        out_type=(
            jax.ShapeDtypeStruct((_NC, N, D), jnp.float32),
            jax.ShapeDtypeStruct((_NC, N, _DD), jnp.float32),
        ),
        scratch_types=[
            pltpu.VMEM_SHARED((N, D), jnp.float32),
            pltpu.VMEM_SHARED((N, _DD), jnp.float32),
            pltpu.VMEM((chunks, _K), jnp.int32),
            pltpu.VMEM((chunks, _K), jnp.int32),
            pltpu.VMEM((_K, _DD), jnp.float32),
            pltpu.VMEM((_K, D), jnp.float32),
            pltpu.VMEM((_K, D), jnp.float32),
            pltpu.VMEM((_K, D), jnp.float32),
            pltpu.SemaphoreType.DMA,
            pltpu.SemaphoreType.DMA,
            pltpu.SemaphoreType.DMA,
            pltpu.SemaphoreType.DMA,
            pltpu.SemaphoreType.DMA,
            pltpu.SemaphoreType.DMA,
            pltpu.SemaphoreType.DMA,
            pltpu.SemaphoreType.DMA,
            pltpu.SemaphoreType.DMA,
        ],
    )
    def body(xt_hbm, e_hbm, z_hbm, ones_hbm, out_hbm, deg_out_hbm,
             acc, deg, src_v, tgt_v, ones_v, r0, r1, r2,
             g0, g1, g2, s0, s1, s2, d0, d1, d2):
        c = lax.axis_index("c")
        s = lax.axis_index("s")
        wid = s * _NC + c
        rows = pl.ds(s * rows_per_tile, rows_per_tile)
        tail = pl.ds(tail_base, tail_rows)
        pltpu.sync_copy(z_hbm.at[rows], acc.at[rows])
        pltpu.sync_copy(z_hbm.at[rows, pl.ds(0, _DD)], deg.at[rows])

        @pl.when(s == _NS - 1)
        def _():
            pltpu.sync_copy(z_hbm.at[tail], acc.at[tail])
            pltpu.sync_copy(z_hbm.at[tail, pl.ds(0, _DD)], deg.at[tail])

        pltpu.sync_copy(e_hbm.at[0, wid], src_v)
        pltpu.sync_copy(e_hbm.at[1, wid], tgt_v)
        pltpu.sync_copy(ones_hbm, ones_v)
        plsc.subcore_barrier()

        buf = (r0, r1, r2)
        gsem = (g0, g1, g2)
        ssem = (s0, s1, s2)
        dsem = (d0, d1, d2)

        def g_start(j, t):
            pltpu.async_copy(xt_hbm.at[tgt_v.at[j]], buf[t], gsem[t])

        def g_wait(j, t):
            pltpu.make_async_copy(
                xt_hbm.at[tgt_v.at[j]], buf[t], gsem[t]).wait()

        def s_start(j, t):
            pltpu.async_copy(buf[t], acc.at[src_v.at[j]], ssem[t], add=True)
            pltpu.async_copy(ones_v, deg.at[src_v.at[j]], dsem[t], add=True)

        def s_wait(j, t):
            pltpu.make_async_copy(
                buf[t], acc.at[src_v.at[j]], ssem[t]).wait()
            pltpu.make_async_copy(
                ones_v, deg.at[src_v.at[j]], dsem[t]).wait()

        def step(j, t, t2):
            g_wait(j, t)
            s_start(j, t)
            s_wait(j - 1, t2)
            g_start(j + 2, t2)

        g_start(0, 0)
        g_start(1, 1)
        g_wait(0, 0)
        s_start(0, 0)
        g_start(2, 2)
        g_wait(1, 1)
        s_start(1, 1)
        s_wait(0, 0)
        g_start(3, 0)

        n_tri = (chunks - 4) // 3
        rem = (chunks - 4) % 3

        def triple(i, carry):
            j0 = 2 + 3 * i
            step(j0, 2, 1)
            step(j0 + 1, 0, 2)
            step(j0 + 2, 1, 0)
            return carry

        lax.fori_loop(0, n_tri, triple, 0)
        for r in range(rem):
            j = 2 + 3 * n_tri + r
            step(j, j % 3, (j + 2) % 3)

        for j in (chunks - 2, chunks - 1):
            g_wait(j, j % 3)
            s_start(j, j % 3)
        for j in (chunks - 3, chunks - 2, chunks - 1):
            s_wait(j, j % 3)

        plsc.subcore_barrier()
        pltpu.sync_copy(acc.at[rows], out_hbm.at[c, rows])
        pltpu.sync_copy(deg.at[rows], deg_out_hbm.at[c, rows])

        @pl.when(s == _NS - 1)
        def _():
            pltpu.sync_copy(acc.at[tail], out_hbm.at[c, tail])
            pltpu.sync_copy(deg.at[tail], deg_out_hbm.at[c, tail])

    return body(xt, e4, zeros, ones)


def _combine(feat, degp, term, N, D, blk=2000):

    def body(p_ref, d_ref, t_ref, o_ref):
        sacc = p_ref[0] + p_ref[1]
        deg = jnp.maximum(d_ref[0][:, :1] + d_ref[1][:, :1], 1.0)
        o_ref[...] = sacc / deg + t_ref[0, 0]

    return pl.pallas_call(
        body,
        grid=(N // blk,),
        in_specs=[
            pl.BlockSpec((2, blk, D), lambda i: (0, i, 0)),
            pl.BlockSpec((2, blk, _DD), lambda i: (0, i, 0)),
            pl.BlockSpec((1, 1), lambda i: (0, 0)),
        ],
        out_specs=pl.BlockSpec((blk, D), lambda i: (i, 0)),
        out_shape=jax.ShapeDtypeStruct((N, D), jnp.float32),
    )(feat, degp, term)


def kernel(x, edge_index, num_node, W, b):
    N, D = x.shape
    E = edge_index.shape[1]
    nw = _NC * _NS
    chunks = E // (nw * _K)

    xt = _linear_relu(x, W.T, b.reshape(1, D))
    e4 = edge_index.reshape(2, nw, chunks, _K)
    zeros = jnp.zeros((N, D), jnp.float32)
    ones = jnp.ones((_K, _DD), jnp.float32)
    (feat, degp) = _sc_aggregate(xt, e4, zeros, ones, N, D, chunks)
    term = (jnp.asarray(num_node, jnp.float32) - jnp.float32(N)).reshape(1, 1)
    return _combine(feat, degp, term, N, D)

# --- scband reference (transcript-rebuilt; emitter-appended) ---
"""Pipeline reference for scband-neigh-agg-49323404427453 (READ-ONLY COPY).

The authoritative reference and input builder live on the scoring server;
editing this copy changes nothing except your own understanding.
"""

import jax, jax.numpy as jnp
import numpy as np


def setup_inputs(seed: int = 0) -> dict:
    key = jax.random.key(seed)
    k1, k2, k3, k4 = jax.random.split(key, 4)
    x = jax.random.normal(k1, (10000, 128), dtype=jnp.float32)
    edge_index = jax.random.randint(k2, (2, 320000), 0, 10000, dtype=jnp.int32)
    # Learned params of nn.Linear(embed_dim=128, embed_dim=128)
    W = jax.random.normal(k3, (128, 128), dtype=jnp.float32) * 0.05
    b = jax.random.normal(k4, (128,), dtype=jnp.float32) * 0.05
    return {"x": x, "edge_index": edge_index, "num_node": 10000, "W": W, "b": b}


def reference(x, edge_index, num_node, W, b):
    source_nodes = edge_index[0]
    target_nodes = edge_index[1]
    # x_target = relu(Linear(x))
    x_target = jax.nn.relu(x @ W.T + b)
    n = x.shape[0]
    # aggr_features = zeros(num_node, d); index_add_(0, source_nodes, x_target[target_nodes])
    aggr_features = jnp.zeros((n, x.shape[1]), dtype=x.dtype).at[source_nodes].add(x_target[target_nodes])
    # row_sum = bincount(source_nodes, minlength=num_node).float().clamp(min=1)
    row_sum = jnp.clip(jnp.bincount(source_nodes, length=n).astype(jnp.float32), 1.0, None)
    aggr_features = aggr_features / row_sum[:, None]
    aggr_features = aggr_features + (jnp.asarray(num_node) - n).astype(x.dtype)
    # F.dropout with training=False (eval mode) is identity
    return aggr_features

if __name__ == "__main__":
    import jax
    _d = setup_inputs()
    print(jax.jit(kernel)(*tuple(_d.values())))

</pallas_src>

<mosaic_0001>
#map = affine_map<(d0, d1) -> (0, 0)>
#map1 = affine_map<(d0, d1) -> (0, 0, 0, 0)>
#map2 = affine_map<(d0, d1) -> (0, 0, 0)>
module attributes {stable_mosaic.version = 14 : i64} {
  func.func @body(%arg0: i32, %arg1: i32, %arg2: memref<10000x128xf32, #tpu.memory_space<hbm>>, %arg3: memref<2x32x250x40xi32, #tpu.memory_space<hbm>>, %arg4: memref<10000x128xf32, #tpu.memory_space<hbm>>, %arg5: memref<40x16xf32, #tpu.memory_space<hbm>>, %arg6: memref<2x10000x128xf32, #tpu.memory_space<hbm>>, %arg7: memref<2x10000x16xf32, #tpu.memory_space<hbm>>, %arg8: memref<10000x128xf32, #tpu.memory_space<vmem_shared>>, %arg9: memref<10000x16xf32, #tpu.memory_space<vmem_shared>>, %arg10: memref<250x40xi32, #tpu.memory_space<vmem>>, %arg11: memref<250x40xi32, #tpu.memory_space<vmem>>, %arg12: memref<40x16xf32, #tpu.memory_space<vmem>>, %arg13: memref<40x128xf32, #tpu.memory_space<vmem>>, %arg14: memref<40x128xf32, #tpu.memory_space<vmem>>, %arg15: memref<40x128xf32, #tpu.memory_space<vmem>>, %arg16: memref<!tpu.dma_semaphore, #tpu.memory_space<semaphore_mem>>, %arg17: memref<!tpu.dma_semaphore, #tpu.memory_space<semaphore_mem>>, %arg18: memref<!tpu.dma_semaphore, #tpu.memory_space<semaphore_mem>>, %arg19: memref<!tpu.dma_semaphore, #tpu.memory_space<semaphore_mem>>, %arg20: memref<!tpu.dma_semaphore, #tpu.memory_space<semaphore_mem>>, %arg21: memref<!tpu.dma_semaphore, #tpu.memory_space<semaphore_mem>>, %arg22: memref<!tpu.dma_semaphore, #tpu.memory_space<semaphore_mem>>, %arg23: memref<!tpu.dma_semaphore, #tpu.memory_space<semaphore_mem>>, %arg24: memref<!tpu.dma_semaphore, #tpu.memory_space<semaphore_mem>>) attributes {dimension_semantics = [#tpu.dimension_semantics<core_parallel>, #tpu.dimension_semantics<subcore_parallel>], iteration_bounds = array<i64: 2, 16>, scalar_prefetch = 0 : i64, scratch_operands = 17 : i64, tpu.core_type = #tpu.core_type<sc_vector_subcore>, window_params = [{transform_indices = #map}, {transform_indices = #map1}, {transform_indices = #map}, {transform_indices = #map}, {transform_indices = #map2}, {transform_indices = #map2}]} {
    %mul3A = arith.constant 2 : i32
    %mul3A_0 = arith.muli %arg1, %mul3A : i32
    %add3A = arith.addi %mul3A_0, %arg0 : i32
    %mul3A_1 = arith.constant 624 : i32
    %mul3A_2 = arith.muli %arg1, %mul3A_1 : i32
    "tpu.region"() ({
      %run_scoped3A_183 = tpu.sem_alloc : memref<!tpu.dma_semaphore, #tpu.memory_space<semaphore_mem>>
      %dma_start3A_184 = arith.constant 0 : i32
      %dma_start3A_185 = tpu.memref_slice %arg8[%mul3A_2, %dma_start3A_184] : memref<10000x128xf32, #tpu.memory_space<vmem_shared>> -> memref<624x128xf32, #tpu.memory_space<vmem_shared>>
      %dma_start3A_186 = arith.constant 0 : i32
      %dma_start3A_187 = tpu.memref_slice %arg4[%mul3A_2, %dma_start3A_186] : memref<10000x128xf32, #tpu.memory_space<hbm>> -> memref<624x128xf32, #tpu.memory_space<hbm>>
      tpu.enqueue_dma source(%dma_start3A_187 : memref<624x128xf32, #tpu.memory_space<hbm>>) target(%dma_start3A_185 : memref<624x128xf32, #tpu.memory_space<vmem_shared>>) target_semaphore(%run_scoped3A_183 : memref<!tpu.dma_semaphore, #tpu.memory_space<semaphore_mem>>)
      %dma_wait3A_188 = arith.constant 0 : i32
      %dma_wait3A_189 = tpu.memref_slice %arg8[%mul3A_2, %dma_wait3A_188] : memref<10000x128xf32, #tpu.memory_space<vmem_shared>> -> memref<624x128xf32, #tpu.memory_space<vmem_shared>>
      %dma_wait3A_190 = arith.constant 0 : i32
      %dma_wait3A_191 = tpu.memref_slice %arg4[%mul3A_2, %dma_wait3A_190] : memref<10000x128xf32, #tpu.memory_space<hbm>> -> memref<624x128xf32, #tpu.memory_space<hbm>>
      tpu.wait_dma2 semaphore(%run_scoped3A_183 : memref<!tpu.dma_semaphore, #tpu.memory_space<semaphore_mem>>) src(%dma_wait3A_191 : memref<624x128xf32, #tpu.memory_space<hbm>>) dst(%dma_wait3A_189 : memref<624x128xf32, #tpu.memory_space<vmem_shared>>)
      tpu.yield
    }) : () -> ()
    "tpu.region"() ({
      %run_scoped3A_183 = tpu.sem_alloc : memref<!tpu.dma_semaphore, #tpu.memory_space<semaphore_mem>>
      %dma_start3A_184 = arith.constant 0 : i32
      %dma_start3A_185 = tpu.memref_slice %arg9[%mul3A_2, %dma_start3A_184] : memref<10000x16xf32, #tpu.memory_space<vmem_shared>> -> memref<624x16xf32, #tpu.memory_space<vmem_shared>>
      %dma_start3A_186 = arith.constant 0 : i32
      %dma_start3A_187 = tpu.memref_slice %arg4[%mul3A_2, %dma_start3A_186] : memref<10000x128xf32, #tpu.memory_space<hbm>> -> memref<624x16xf32, #tpu.memory_space<hbm>>
      tpu.enqueue_dma source(%dma_start3A_187 : memref<624x16xf32, #tpu.memory_space<hbm>>) target(%dma_start3A_185 : memref<624x16xf32, #tpu.memory_space<vmem_shared>>) target_semaphore(%run_scoped3A_183 : memref<!tpu.dma_semaphore, #tpu.memory_space<semaphore_mem>>)
      %dma_wait3A_188 = arith.constant 0 : i32
      %dma_wait3A_189 = tpu.memref_slice %arg9[%mul3A_2, %dma_wait3A_188] : memref<10000x16xf32, #tpu.memory_space<vmem_shared>> -> memref<624x16xf32, #tpu.memory_space<vmem_shared>>
      %dma_wait3A_190 = arith.constant 0 : i32
      %dma_wait3A_191 = tpu.memref_slice %arg4[%mul3A_2, %dma_wait3A_190] : memref<10000x128xf32, #tpu.memory_space<hbm>> -> memref<624x16xf32, #tpu.memory_space<hbm>>
      tpu.wait_dma2 semaphore(%run_scoped3A_183 : memref<!tpu.dma_semaphore, #tpu.memory_space<semaphore_mem>>) src(%dma_wait3A_191 : memref<624x16xf32, #tpu.memory_space<hbm>>) dst(%dma_wait3A_189 : memref<624x16xf32, #tpu.memory_space<vmem_shared>>)
      tpu.yield
    }) : () -> ()
    %eq3A = arith.constant 15 : i32
    %eq3A_3 = arith.cmpi eq, %arg1, %eq3A : i32
    %convert_element_type3A = arith.extui %eq3A_3 : i1 to i32
    %cond3A = arith.constant 0 : i32
    %cond3A_4 = arith.cmpi ne, %convert_element_type3A, %cond3A : i32
    scf.if %cond3A_4 {
      "tpu.region"() ({
        %run_scoped3A_183 = tpu.sem_alloc : memref<!tpu.dma_semaphore, #tpu.memory_space<semaphore_mem>>
        %dma_start3A_184 = arith.constant 9984 : i32
        %dma_start3A_185 = arith.constant 0 : i32
        %dma_start3A_186 = tpu.memref_slice %arg8[%dma_start3A_184, %dma_start3A_185] : memref<10000x128xf32, #tpu.memory_space<vmem_shared>> -> memref<16x128xf32, #tpu.memory_space<vmem_shared>>
        %dma_start3A_187 = arith.constant 9984 : i32
        %dma_start3A_188 = arith.constant 0 : i32
        %dma_start3A_189 = tpu.memref_slice %arg4[%dma_start3A_187, %dma_start3A_188] : memref<10000x128xf32, #tpu.memory_space<hbm>> -> memref<16x128xf32, #tpu.memory_space<hbm>>
        tpu.enqueue_dma source(%dma_start3A_189 : memref<16x128xf32, #tpu.memory_space<hbm>>) target(%dma_start3A_186 : memref<16x128xf32, #tpu.memory_space<vmem_shared>>) target_semaphore(%run_scoped3A_183 : memref<!tpu.dma_semaphore, #tpu.memory_space<semaphore_mem>>)
        %dma_wait3A_190 = arith.constant 9984 : i32
        %dma_wait3A_191 = arith.constant 0 : i32
        %dma_wait3A_192 = tpu.memref_slice %arg8[%dma_wait3A_190, %dma_wait3A_191] : memref<10000x128xf32, #tpu.memory_space<vmem_shared>> -> memref<16x128xf32, #tpu.memory_space<vmem_shared>>
        %dma_wait3A_193 = arith.constant 9984 : i32
        %dma_wait3A_194 = arith.constant 0 : i32
        %dma_wait3A_195 = tpu.memref_slice %arg4[%dma_wait3A_193, %dma_wait3A_194] : memref<10000x128xf32, #tpu.memory_space<hbm>> -> memref<16x128xf32, #tpu.memory_space<hbm>>
        tpu.wait_dma2 semaphore(%run_scoped3A_183 : memref<!tpu.dma_semaphore, #tpu.memory_space<semaphore_mem>>) src(%dma_wait3A_195 : memref<16x128xf32, #tpu.memory_space<hbm>>) dst(%dma_wait3A_192 : memref<16x128xf32, #tpu.memory_space<vmem_shared>>)
        tpu.yield
      }) : () -> ()
      "tpu.region"() ({
        %run_scoped3A_183 = tpu.sem_alloc : memref<!tpu.dma_semaphore, #tpu.memory_space<semaphore_mem>>
        %dma_start3A_184 = arith.constant 9984 : i32
        %dma_start3A_185 = arith.constant 0 : i32
        %dma_start3A_186 = tpu.memref_slice %arg9[%dma_start3A_184, %dma_start3A_185] : memref<10000x16xf32, #tpu.memory_space<vmem_shared>> -> memref<16x16xf32, #tpu.memory_space<vmem_shared>>
        %dma_start3A_187 = arith.constant 9984 : i32
        %dma_start3A_188 = arith.constant 0 : i32
        %dma_start3A_189 = tpu.memref_slice %arg4[%dma_start3A_187, %dma_start3A_188] : memref<10000x128xf32, #tpu.memory_space<hbm>> -> memref<16x16xf32, #tpu.memory_space<hbm>>
        tpu.enqueue_dma source(%dma_start3A_189 : memref<16x16xf32, #tpu.memory_space<hbm>>) target(%dma_start3A_186 : memref<16x16xf32, #tpu.memory_space<vmem_shared>>) target_semaphore(%run_scoped3A_183 : memref<!tpu.dma_semaphore, #tpu.memory_space<semaphore_mem>>)
        %dma_wait3A_190 = arith.constant 9984 : i32
        %dma_wait3A_191 = arith.constant 0 : i32
        %dma_wait3A_192 = tpu.memref_slice %arg9[%dma_wait3A_190, %dma_wait3A_191] : memref<10000x16xf32, #tpu.memory_space<vmem_shared>> -> memref<16x16xf32, #tpu.memory_space<vmem_shared>>
        %dma_wait3A_193 = arith.constant 9984 : i32
        %dma_wait3A_194 = arith.constant 0 : i32
        %dma_wait3A_195 = tpu.memref_slice %arg4[%dma_wait3A_193, %dma_wait3A_194] : memref<10000x128xf32, #tpu.memory_space<hbm>> -> memref<16x16xf32, #tpu.memory_space<hbm>>
        tpu.wait_dma2 semaphore(%run_scoped3A_183 : memref<!tpu.dma_semaphore, #tpu.memory_space<semaphore_mem>>) src(%dma_wait3A_195 : memref<16x16xf32, #tpu.memory_space<hbm>>) dst(%dma_wait3A_192 : memref<16x16xf32, #tpu.memory_space<vmem_shared>>)
        tpu.yield
      }) : () -> ()
    } else {
    }
    %run_scoped3A = arith.constant 0 : i32
    "tpu.region"() ({
      %run_scoped3A_183 = tpu.sem_alloc : memref<!tpu.dma_semaphore, #tpu.memory_space<semaphore_mem>>
      %dma_start3A_184 = arith.constant 0 : i32
      %dma_start3A_185 = arith.constant 0 : i32
      %dma_start3A_186 = tpu.memref_slice %arg3[%run_scoped3A, %add3A, %dma_start3A_184, %dma_start3A_185] : memref<2x32x250x40xi32, #tpu.memory_space<hbm>> -> memref<1x1x250x40xi32, #tpu.memory_space<hbm>>
      %dma_start3A_187 = tpu.memref_squeeze %dma_start3A_186 : memref<1x1x250x40xi32, #tpu.memory_space<hbm>> -> memref<250x40xi32, #tpu.memory_space<hbm>>
      %dma_start3A_188 = arith.constant 0 : i32
      %dma_start3A_189 = arith.constant 0 : i32
      %dma_start3A_190 = tpu.memref_slice %arg3[%run_scoped3A, %add3A, %dma_start3A_188, %dma_start3A_189] : memref<2x32x250x40xi32, #tpu.memory_space<hbm>> -> memref<1x1x250x40xi32, #tpu.memory_space<hbm>>
      %dma_start3A_191 = tpu.memref_squeeze %dma_start3A_190 : memref<1x1x250x40xi32, #tpu.memory_space<hbm>> -> memref<250x40xi32, #tpu.memory_space<hbm>>
      tpu.enqueue_dma source(%dma_start3A_191 : memref<250x40xi32, #tpu.memory_space<hbm>>) target(%arg10 : memref<250x40xi32, #tpu.memory_space<vmem>>) target_semaphore(%run_scoped3A_183 : memref<!tpu.dma_semaphore, #tpu.memory_space<semaphore_mem>>)
      %dma_wait3A_192 = arith.constant 0 : i32
      %dma_wait3A_193 = arith.constant 0 : i32
      %dma_wait3A_194 = tpu.memref_slice %arg3[%run_scoped3A, %add3A, %dma_wait3A_192, %dma_wait3A_193] : memref<2x32x250x40xi32, #tpu.memory_space<hbm>> -> memref<1x1x250x40xi32, #tpu.memory_space<hbm>>
      %dma_wait3A_195 = tpu.memref_squeeze %dma_wait3A_194 : memref<1x1x250x40xi32, #tpu.memory_space<hbm>> -> memref<250x40xi32, #tpu.memory_space<hbm>>
      %dma_wait3A_196 = arith.constant 0 : i32
      %dma_wait3A_197 = arith.constant 0 : i32
      %dma_wait3A_198 = tpu.memref_slice %arg3[%run_scoped3A, %add3A, %dma_wait3A_196, %dma_wait3A_197] : memref<2x32x250x40xi32, #tpu.memory_space<hbm>> -> memref<1x1x250x40xi32, #tpu.memory_space<hbm>>
      %dma_wait3A_199 = tpu.memref_squeeze %dma_wait3A_198 : memref<1x1x250x40xi32, #tpu.memory_space<hbm>> -> memref<250x40xi32, #tpu.memory_space<hbm>>
      tpu.wait_dma2 semaphore(%run_scoped3A_183 : memref<!tpu.dma_semaphore, #tpu.memory_space<semaphore_mem>>) src(%dma_wait3A_199 : memref<250x40xi32, #tpu.memory_space<hbm>>) dst(%arg10 : memref<250x40xi32, #tpu.memory_space<vmem>>)
      tpu.yield
    }) : () -> ()
    %run_scoped3A_5 = arith.constant 1 : i32
    "tpu.region"() ({
      %run_scoped3A_183 = tpu.sem_alloc : memref<!tpu.dma_semaphore, #tpu.memory_space<semaphore_mem>>
      %dma_start3A_184 = arith.constant 0 : i32
      %dma_start3A_185 = arith.constant 0 : i32
      %dma_start3A_186 = tpu.memref_slice %arg3[%run_scoped3A_5, %add3A, %dma_start3A_184, %dma_start3A_185] : memref<2x32x250x40xi32, #tpu.memory_space<hbm>> -> memref<1x1x250x40xi32, #tpu.memory_space<hbm>>
      %dma_start3A_187 = tpu.memref_squeeze %dma_start3A_186 : memref<1x1x250x40xi32, #tpu.memory_space<hbm>> -> memref<250x40xi32, #tpu.memory_space<hbm>>
      %dma_start3A_188 = arith.constant 0 : i32
      %dma_start3A_189 = arith.constant 0 : i32
      %dma_start3A_190 = tpu.memref_slice %arg3[%run_scoped3A_5, %add3A, %dma_start3A_188, %dma_start3A_189] : memref<2x32x250x40xi32, #tpu.memory_space<hbm>> -> memref<1x1x250x40xi32, #tpu.memory_space<hbm>>
      %dma_start3A_191 = tpu.memref_squeeze %dma_start3A_190 : memref<1x1x250x40xi32, #tpu.memory_space<hbm>> -> memref<250x40xi32, #tpu.memory_space<hbm>>
      tpu.enqueue_dma source(%dma_start3A_191 : memref<250x40xi32, #tpu.memory_space<hbm>>) target(%arg11 : memref<250x40xi32, #tpu.memory_space<vmem>>) target_semaphore(%run_scoped3A_183 : memref<!tpu.dma_semaphore, #tpu.memory_space<semaphore_mem>>)
      %dma_wait3A_192 = arith.constant 0 : i32
      %dma_wait3A_193 = arith.constant 0 : i32
      %dma_wait3A_194 = tpu.memref_slice %arg3[%run_scoped3A_5, %add3A, %dma_wait3A_192, %dma_wait3A_193] : memref<2x32x250x40xi32, #tpu.memory_space<hbm>> -> memref<1x1x250x40xi32, #tpu.memory_space<hbm>>
      %dma_wait3A_195 = tpu.memref_squeeze %dma_wait3A_194 : memref<1x1x250x40xi32, #tpu.memory_space<hbm>> -> memref<250x40xi32, #tpu.memory_space<hbm>>
      %dma_wait3A_196 = arith.constant 0 : i32
      %dma_wait3A_197 = arith.constant 0 : i32
      %dma_wait3A_198 = tpu.memref_slice %arg3[%run_scoped3A_5, %add3A, %dma_wait3A_196, %dma_wait3A_197] : memref<2x32x250x40xi32, #tpu.memory_space<hbm>> -> memref<1x1x250x40xi32, #tpu.memory_space<hbm>>
      %dma_wait3A_199 = tpu.memref_squeeze %dma_wait3A_198 : memref<1x1x250x40xi32, #tpu.memory_space<hbm>> -> memref<250x40xi32, #tpu.memory_space<hbm>>
      tpu.wait_dma2 semaphore(%run_scoped3A_183 : memref<!tpu.dma_semaphore, #tpu.memory_space<semaphore_mem>>) src(%dma_wait3A_199 : memref<250x40xi32, #tpu.memory_space<hbm>>) dst(%arg11 : memref<250x40xi32, #tpu.memory_space<vmem>>)
      tpu.yield
    }) : () -> ()
    "tpu.region"() ({
      %run_scoped3A_183 = tpu.sem_alloc : memref<!tpu.dma_semaphore, #tpu.memory_space<semaphore_mem>>
      tpu.enqueue_dma source(%arg5 : memref<40x16xf32, #tpu.memory_space<hbm>>) target(%arg12 : memref<40x16xf32, #tpu.memory_space<vmem>>) target_semaphore(%run_scoped3A_183 : memref<!tpu.dma_semaphore, #tpu.memory_space<semaphore_mem>>)
      tpu.wait_dma2 semaphore(%run_scoped3A_183 : memref<!tpu.dma_semaphore, #tpu.memory_space<semaphore_mem>>) src(%arg5 : memref<40x16xf32, #tpu.memory_space<hbm>>) dst(%arg12 : memref<40x16xf32, #tpu.memory_space<vmem>>)
      tpu.yield
    }) : () -> ()
    %barrier3A = arith.constant 0 : index
    tpu.barrier barrier_id(%barrier3A)
    %dma_start3A = arith.constant 0 : i32
    %dma_start3A_6 = arith.constant 0 : i32
    %dma_start3A_7 = tpu.memref_slice %arg11[%dma_start3A, %dma_start3A_6] : memref<250x40xi32, #tpu.memory_space<vmem>> -> memref<1x40xi32, #tpu.memory_space<vmem>>
    %dma_start3A_8 = tpu.memref_squeeze %dma_start3A_7 : memref<1x40xi32, #tpu.memory_space<vmem>> -> memref<40xi32, #tpu.memory_space<vmem>>
    %dma_start3A_9 = arith.constant 0 : i32
    %dma_start3A_10 = arith.constant 0 : i32
    %dma_start3A_11 = tpu.memref_slice %arg2[%dma_start3A_9, %dma_start3A_10] : memref<10000x128xf32, #tpu.memory_space<hbm>> -> memref<10000x128xf32, #tpu.memory_space<hbm>>
    tpu.enqueue_indirect_dma source(%dma_start3A_11 : memref<10000x128xf32, #tpu.memory_space<hbm>>) target(%arg13 : memref<40x128xf32, #tpu.memory_space<vmem>>) offsets(%dma_start3A_8 : memref<40xi32, #tpu.memory_space<vmem>>) semaphore(%arg16 : memref<!tpu.dma_semaphore, #tpu.memory_space<semaphore_mem>>)
    %dma_start3A_12 = arith.constant 1 : i32
    %dma_start3A_13 = arith.constant 0 : i32
    %dma_start3A_14 = tpu.memref_slice %arg11[%dma_start3A_12, %dma_start3A_13] : memref<250x40xi32, #tpu.memory_space<vmem>> -> memref<1x40xi32, #tpu.memory_space<vmem>>
    %dma_start3A_15 = tpu.memref_squeeze %dma_start3A_14 : memref<1x40xi32, #tpu.memory_space<vmem>> -> memref<40xi32, #tpu.memory_space<vmem>>
    %dma_start3A_16 = arith.constant 0 : i32
    %dma_start3A_17 = arith.constant 0 : i32
    %dma_start3A_18 = tpu.memref_slice %arg2[%dma_start3A_16, %dma_start3A_17] : memref<10000x128xf32, #tpu.memory_space<hbm>> -> memref<10000x128xf32, #tpu.memory_space<hbm>>
    tpu.enqueue_indirect_dma source(%dma_start3A_18 : memref<10000x128xf32, #tpu.memory_space<hbm>>) target(%arg14 : memref<40x128xf32, #tpu.memory_space<vmem>>) offsets(%dma_start3A_15 : memref<40xi32, #tpu.memory_space<vmem>>) semaphore(%arg17 : memref<!tpu.dma_semaphore, #tpu.memory_space<semaphore_mem>>)
    %dma_wait3A = arith.constant 0 : i32
    %dma_wait3A_19 = arith.constant 0 : i32
    %dma_wait3A_20 = tpu.memref_slice %arg11[%dma_wait3A, %dma_wait3A_19] : memref<250x40xi32, #tpu.memory_space<vmem>> -> memref<1x40xi32, #tpu.memory_space<vmem>>
    %dma_wait3A_21 = tpu.memref_squeeze %dma_wait3A_20 : memref<1x40xi32, #tpu.memory_space<vmem>> -> memref<40xi32, #tpu.memory_space<vmem>>
    %dma_wait3A_22 = arith.constant 0 : i32
    %dma_wait3A_23 = arith.constant 0 : i32
    %dma_wait3A_24 = tpu.memref_slice %arg2[%dma_wait3A_22, %dma_wait3A_23] : memref<10000x128xf32, #tpu.memory_space<hbm>> -> memref<10000x128xf32, #tpu.memory_space<hbm>>
    tpu.wait_indirect_dma semaphore(%arg16 : memref<!tpu.dma_semaphore, #tpu.memory_space<semaphore_mem>>) src(%dma_wait3A_24 : memref<10000x128xf32, #tpu.memory_space<hbm>>) dst(%arg13 : memref<40x128xf32, #tpu.memory_space<vmem>>)
    %dma_start3A_25 = arith.constant 0 : i32
    %dma_start3A_26 = arith.constant 0 : i32
    %dma_start3A_27 = tpu.memref_slice %arg10[%dma_start3A_25, %dma_start3A_26] : memref<250x40xi32, #tpu.memory_space<vmem>> -> memref<1x40xi32, #tpu.memory_space<vmem>>
    %dma_start3A_28 = tpu.memref_squeeze %dma_start3A_27 : memref<1x40xi32, #tpu.memory_space<vmem>> -> memref<40xi32, #tpu.memory_space<vmem>>
    %dma_start3A_29 = arith.constant 0 : i32
    %dma_start3A_30 = arith.constant 0 : i32
    %dma_start3A_31 = tpu.memref_slice %arg8[%dma_start3A_29, %dma_start3A_30] : memref<10000x128xf32, #tpu.memory_space<vmem_shared>> -> memref<10000x128xf32, #tpu.memory_space<vmem_shared>>
    tpu.enqueue_indirect_dma source(%arg13 : memref<40x128xf32, #tpu.memory_space<vmem>>) target(%dma_start3A_31 : memref<10000x128xf32, #tpu.memory_space<vmem_shared>>) offsets(%dma_start3A_28 : memref<40xi32, #tpu.memory_space<vmem>>) semaphore(%arg19 : memref<!tpu.dma_semaphore, #tpu.memory_space<semaphore_mem>>) {add = true}
    %dma_start3A_32 = arith.constant 0 : i32
    %dma_start3A_33 = arith.constant 0 : i32
    %dma_start3A_34 = tpu.memref_slice %arg10[%dma_start3A_32, %dma_start3A_33] : memref<250x40xi32, #tpu.memory_space<vmem>> -> memref<1x40xi32, #tpu.memory_space<vmem>>
    %dma_start3A_35 = tpu.memref_squeeze %dma_start3A_34 : memref<1x40xi32, #tpu.memory_space<vmem>> -> memref<40xi32, #tpu.memory_space<vmem>>
    %dma_start3A_36 = arith.constant 0 : i32
    %dma_start3A_37 = arith.constant 0 : i32
    %dma_start3A_38 = tpu.memref_slice %arg9[%dma_start3A_36, %dma_start3A_37] : memref<10000x16xf32, #tpu.memory_space<vmem_shared>> -> memref<10000x16xf32, #tpu.memory_space<vmem_shared>>
    tpu.enqueue_indirect_dma source(%arg12 : memref<40x16xf32, #tpu.memory_space<vmem>>) target(%dma_start3A_38 : memref<10000x16xf32, #tpu.memory_space<vmem_shared>>) offsets(%dma_start3A_35 : memref<40xi32, #tpu.memory_space<vmem>>) semaphore(%arg22 : memref<!tpu.dma_semaphore, #tpu.memory_space<semaphore_mem>>) {add = true}
    %dma_start3A_39 = arith.constant 2 : i32
    %dma_start3A_40 = arith.constant 0 : i32
    %dma_start3A_41 = tpu.memref_slice %arg11[%dma_start3A_39, %dma_start3A_40] : memref<250x40xi32, #tpu.memory_space<vmem>> -> memref<1x40xi32, #tpu.memory_space<vmem>>
    %dma_start3A_42 = tpu.memref_squeeze %dma_start3A_41 : memref<1x40xi32, #tpu.memory_space<vmem>> -> memref<40xi32, #tpu.memory_space<vmem>>
    %dma_start3A_43 = arith.constant 0 : i32
    %dma_start3A_44 = arith.constant 0 : i32
    %dma_start3A_45 = tpu.memref_slice %arg2[%dma_start3A_43, %dma_start3A_44] : memref<10000x128xf32, #tpu.memory_space<hbm>> -> memref<10000x128xf32, #tpu.memory_space<hbm>>
    tpu.enqueue_indirect_dma source(%dma_start3A_45 : memref<10000x128xf32, #tpu.memory_space<hbm>>) target(%arg15 : memref<40x128xf32, #tpu.memory_space<vmem>>) offsets(%dma_start3A_42 : memref<40xi32, #tpu.memory_space<vmem>>) semaphore(%arg18 : memref<!tpu.dma_semaphore, #tpu.memory_space<semaphore_mem>>)
    %dma_wait3A_46 = arith.constant 1 : i32
    %dma_wait3A_47 = arith.constant 0 : i32
    %dma_wait3A_48 = tpu.memref_slice %arg11[%dma_wait3A_46, %dma_wait3A_47] : memref<250x40xi32, #tpu.memory_space<vmem>> -> memref<1x40xi32, #tpu.memory_space<vmem>>
    %dma_wait3A_49 = tpu.memref_squeeze %dma_wait3A_48 : memref<1x40xi32, #tpu.memory_space<vmem>> -> memref<40xi32, #tpu.memory_space<vmem>>
    %dma_wait3A_50 = arith.constant 0 : i32
    %dma_wait3A_51 = arith.constant 0 : i32
    %dma_wait3A_52 = tpu.memref_slice %arg2[%dma_wait3A_50, %dma_wait3A_51] : memref<10000x128xf32, #tpu.memory_space<hbm>> -> memref<10000x128xf32, #tpu.memory_space<hbm>>
    tpu.wait_indirect_dma semaphore(%arg17 : memref<!tpu.dma_semaphore, #tpu.memory_space<semaphore_mem>>) src(%dma_wait3A_52 : memref<10000x128xf32, #tpu.memory_space<hbm>>) dst(%arg14 : memref<40x128xf32, #tpu.memory_space<vmem>>)
    %dma_start3A_53 = arith.constant 1 : i32
    %dma_start3A_54 = arith.constant 0 : i32
    %dma_start3A_55 = tpu.memref_slice %arg10[%dma_start3A_53, %dma_start3A_54] : memref<250x40xi32, #tpu.memory_space<vmem>> -> memref<1x40xi32, #tpu.memory_space<vmem>>
    %dma_start3A_56 = tpu.memref_squeeze %dma_start3A_55 : memref<1x40xi32, #tpu.memory_space<vmem>> -> memref<40xi32, #tpu.memory_space<vmem>>
    %dma_start3A_57 = arith.constant 0 : i32
    %dma_start3A_58 = arith.constant 0 : i32
    %dma_start3A_59 = tpu.memref_slice %arg8[%dma_start3A_57, %dma_start3A_58] : memref<10000x128xf32, #tpu.memory_space<vmem_shared>> -> memref<10000x128xf32, #tpu.memory_space<vmem_shared>>
    tpu.enqueue_indirect_dma source(%arg14 : memref<40x128xf32, #tpu.memory_space<vmem>>) target(%dma_start3A_59 : memref<10000x128xf32, #tpu.memory_space<vmem_shared>>) offsets(%dma_start3A_56 : memref<40xi32, #tpu.memory_space<vmem>>) semaphore(%arg20 : memref<!tpu.dma_semaphore, #tpu.memory_space<semaphore_mem>>) {add = true}
    %dma_start3A_60 = arith.constant 1 : i32
    %dma_start3A_61 = arith.constant 0 : i32
    %dma_start3A_62 = tpu.memref_slice %arg10[%dma_start3A_60, %dma_start3A_61] : memref<250x40xi32, #tpu.memory_space<vmem>> -> memref<1x40xi32, #tpu.memory_space<vmem>>
    %dma_start3A_63 = tpu.memref_squeeze %dma_start3A_62 : memref<1x40xi32, #tpu.memory_space<vmem>> -> memref<40xi32, #tpu.memory_space<vmem>>
    %dma_start3A_64 = arith.constant 0 : i32
    %dma_start3A_65 = arith.constant 0 : i32
    %dma_start3A_66 = tpu.memref_slice %arg9[%dma_start3A_64, %dma_start3A_65] : memref<10000x16xf32, #tpu.memory_space<vmem_shared>> -> memref<10000x16xf32, #tpu.memory_space<vmem_shared>>
    tpu.enqueue_indirect_dma source(%arg12 : memref<40x16xf32, #tpu.memory_space<vmem>>) target(%dma_start3A_66 : memref<10000x16xf32, #tpu.memory_space<vmem_shared>>) offsets(%dma_start3A_63 : memref<40xi32, #tpu.memory_space<vmem>>) semaphore(%arg23 : memref<!tpu.dma_semaphore, #tpu.memory_space<semaphore_mem>>) {add = true}
    %dma_wait3A_67 = arith.constant 0 : i32
    %dma_wait3A_68 = arith.constant 0 : i32
    %dma_wait3A_69 = tpu.memref_slice %arg10[%dma_wait3A_67, %dma_wait3A_68] : memref<250x40xi32, #tpu.memory_space<vmem>> -> memref<1x40xi32, #tpu.memory_space<vmem>>
    %dma_wait3A_70 = tpu.memref_squeeze %dma_wait3A_69 : memref<1x40xi32, #tpu.memory_space<vmem>> -> memref<40xi32, #tpu.memory_space<vmem>>
    %dma_wait3A_71 = arith.constant 0 : i32
    %dma_wait3A_72 = arith.constant 0 : i32
    %dma_wait3A_73 = tpu.memref_slice %arg8[%dma_wait3A_71, %dma_wait3A_72] : memref<10000x128xf32, #tpu.memory_space<vmem_shared>> -> memref<10000x128xf32, #tpu.memory_space<vmem_shared>>
    tpu.wait_indirect_dma semaphore(%arg19 : memref<!tpu.dma_semaphore, #tpu.memory_space<semaphore_mem>>) src(%arg13 : memref<40x128xf32, #tpu.memory_space<vmem>>) dst(%dma_wait3A_73 : memref<10000x128xf32, #tpu.memory_space<vmem_shared>>)
    %dma_wait3A_74 = arith.constant 0 : i32
    %dma_wait3A_75 = arith.constant 0 : i32
    %dma_wait3A_76 = tpu.memref_slice %arg10[%dma_wait3A_74, %dma_wait3A_75] : memref<250x40xi32, #tpu.memory_space<vmem>> -> memref<1x40xi32, #tpu.memory_space<vmem>>
    %dma_wait3A_77 = tpu.memref_squeeze %dma_wait3A_76 : memref<1x40xi32, #tpu.memory_space<vmem>> -> memref<40xi32, #tpu.memory_space<vmem>>
    %dma_wait3A_78 = arith.constant 0 : i32
    %dma_wait3A_79 = arith.constant 0 : i32
    %dma_wait3A_80 = tpu.memref_slice %arg9[%dma_wait3A_78, %dma_wait3A_79] : memref<10000x16xf32, #tpu.memory_space<vmem_shared>> -> memref<10000x16xf32, #tpu.memory_space<vmem_shared>>
    tpu.wait_indirect_dma semaphore(%arg22 : memref<!tpu.dma_semaphore, #tpu.memory_space<semaphore_mem>>) src(%arg12 : memref<40x16xf32, #tpu.memory_space<vmem>>) dst(%dma_wait3A_80 : memref<10000x16xf32, #tpu.memory_space<vmem_shared>>)
    %dma_start3A_81 = arith.constant 3 : i32
    %dma_start3A_82 = arith.constant 0 : i32
    %dma_start3A_83 = tpu.memref_slice %arg11[%dma_start3A_81, %dma_start3A_82] : memref<250x40xi32, #tpu.memory_space<vmem>> -> memref<1x40xi32, #tpu.memory_space<vmem>>
    %dma_start3A_84 = tpu.memref_squeeze %dma_start3A_83 : memref<1x40xi32, #tpu.memory_space<vmem>> -> memref<40xi32, #tpu.memory_space<vmem>>
    %dma_start3A_85 = arith.constant 0 : i32
    %dma_start3A_86 = arith.constant 0 : i32
    %dma_start3A_87 = tpu.memref_slice %arg2[%dma_start3A_85, %dma_start3A_86] : memref<10000x128xf32, #tpu.memory_space<hbm>> -> memref<10000x128xf32, #tpu.memory_space<hbm>>
    tpu.enqueue_indirect_dma source(%dma_start3A_87 : memref<10000x128xf32, #tpu.memory_space<hbm>>) target(%arg13 : memref<40x128xf32, #tpu.memory_space<vmem>>) offsets(%dma_start3A_84 : memref<40xi32, #tpu.memory_space<vmem>>) semaphore(%arg16 : memref<!tpu.dma_semaphore, #tpu.memory_space<semaphore_mem>>)
    %scan3A = arith.constant 0 : i32
    %scan3A_88 = arith.constant 0 : i32
    %scan3A_89 = arith.constant 82 : i32
    %scan3A_90 = arith.addi %scan3A_88, %scan3A_89 : i32
    %scan3A_91 = arith.constant 1 : i32
    scf.for %scan3A_183 = %scan3A_88 to %scan3A_90 step %scan3A_91  : i32 {
      %mul3A_184 = arith.constant 3 : i32
      %mul3A_185 = arith.muli %mul3A_184, %scan3A_183 : i32
      %add3A_186 = arith.constant 2 : i32
      %add3A_187 = arith.addi %add3A_186, %mul3A_185 : i32
      %dma_wait3A_188 = arith.constant 0 : i32
      %dma_wait3A_189 = tpu.memref_slice %arg11[%add3A_187, %dma_wait3A_188] : memref<250x40xi32, #tpu.memory_space<vmem>> -> memref<1x40xi32, #tpu.memory_space<vmem>>
      %dma_wait3A_190 = tpu.memref_squeeze %dma_wait3A_189 : memref<1x40xi32, #tpu.memory_space<vmem>> -> memref<40xi32, #tpu.memory_space<vmem>>
      %dma_wait3A_191 = arith.constant 0 : i32
      %dma_wait3A_192 = arith.constant 0 : i32
      %dma_wait3A_193 = tpu.memref_slice %arg2[%dma_wait3A_191, %dma_wait3A_192] : memref<10000x128xf32, #tpu.memory_space<hbm>> -> memref<10000x128xf32, #tpu.memory_space<hbm>>
      tpu.wait_indirect_dma semaphore(%arg18 : memref<!tpu.dma_semaphore, #tpu.memory_space<semaphore_mem>>) src(%dma_wait3A_193 : memref<10000x128xf32, #tpu.memory_space<hbm>>) dst(%arg15 : memref<40x128xf32, #tpu.memory_space<vmem>>)
      %dma_start3A_194 = arith.constant 0 : i32
      %dma_start3A_195 = tpu.memref_slice %arg10[%add3A_187, %dma_start3A_194] : memref<250x40xi32, #tpu.memory_space<vmem>> -> memref<1x40xi32, #tpu.memory_space<vmem>>
      %dma_start3A_196 = tpu.memref_squeeze %dma_start3A_195 : memref<1x40xi32, #tpu.memory_space<vmem>> -> memref<40xi32, #tpu.memory_space<vmem>>
      %dma_start3A_197 = arith.constant 0 : i32
      %dma_start3A_198 = arith.constant 0 : i32
      %dma_start3A_199 = tpu.memref_slice %arg8[%dma_start3A_197, %dma_start3A_198] : memref<10000x128xf32, #tpu.memory_space<vmem_shared>> -> memref<10000x128xf32, #tpu.memory_space<vmem_shared>>
      tpu.enqueue_indirect_dma source(%arg15 : memref<40x128xf32, #tpu.memory_space<vmem>>) target(%dma_start3A_199 : memref<10000x128xf32, #tpu.memory_space<vmem_shared>>) offsets(%dma_start3A_196 : memref<40xi32, #tpu.memory_space<vmem>>) semaphore(%arg21 : memref<!tpu.dma_semaphore, #tpu.memory_space<semaphore_mem>>) {add = true}
      %dma_start3A_200 = arith.constant 0 : i32
      %dma_start3A_201 = tpu.memref_slice %arg10[%add3A_187, %dma_start3A_200] : memref<250x40xi32, #tpu.memory_space<vmem>> -> memref<1x40xi32, #tpu.memory_space<vmem>>
      %dma_start3A_202 = tpu.memref_squeeze %dma_start3A_201 : memref<1x40xi32, #tpu.memory_space<vmem>> -> memref<40xi32, #tpu.memory_space<vmem>>
      %dma_start3A_203 = arith.constant 0 : i32
      %dma_start3A_204 = arith.constant 0 : i32
      %dma_start3A_205 = tpu.memref_slice %arg9[%dma_start3A_203, %dma_start3A_204] : memref<10000x16xf32, #tpu.memory_space<vmem_shared>> -> memref<10000x16xf32, #tpu.memory_space<vmem_shared>>
      tpu.enqueue_indirect_dma source(%arg12 : memref<40x16xf32, #tpu.memory_space<vmem>>) target(%dma_start3A_205 : memref<10000x16xf32, #tpu.memory_space<vmem_shared>>) offsets(%dma_start3A_202 : memref<40xi32, #tpu.memory_space<vmem>>) semaphore(%arg24 : memref<!tpu.dma_semaphore, #tpu.memory_space<semaphore_mem>>) {add = true}
      %sub3A = arith.constant 1 : i32
      %sub3A_206 = arith.subi %add3A_187, %sub3A : i32
      %dma_wait3A_207 = arith.constant 0 : i32
      %dma_wait3A_208 = tpu.memref_slice %arg10[%sub3A_206, %dma_wait3A_207] : memref<250x40xi32, #tpu.memory_space<vmem>> -> memref<1x40xi32, #tpu.memory_space<vmem>>
      %dma_wait3A_209 = tpu.memref_squeeze %dma_wait3A_208 : memref<1x40xi32, #tpu.memory_space<vmem>> -> memref<40xi32, #tpu.memory_space<vmem>>
      %dma_wait3A_210 = arith.constant 0 : i32
      %dma_wait3A_211 = arith.constant 0 : i32
      %dma_wait3A_212 = tpu.memref_slice %arg8[%dma_wait3A_210, %dma_wait3A_211] : memref<10000x128xf32, #tpu.memory_space<vmem_shared>> -> memref<10000x128xf32, #tpu.memory_space<vmem_shared>>
      tpu.wait_indirect_dma semaphore(%arg20 : memref<!tpu.dma_semaphore, #tpu.memory_space<semaphore_mem>>) src(%arg14 : memref<40x128xf32, #tpu.memory_space<vmem>>) dst(%dma_wait3A_212 : memref<10000x128xf32, #tpu.memory_space<vmem_shared>>)
      %dma_wait3A_213 = arith.constant 0 : i32
      %dma_wait3A_214 = tpu.memref_slice %arg10[%sub3A_206, %dma_wait3A_213] : memref<250x40xi32, #tpu.memory_space<vmem>> -> memref<1x40xi32, #tpu.memory_space<vmem>>
      %dma_wait3A_215 = tpu.memref_squeeze %dma_wait3A_214 : memref<1x40xi32, #tpu.memory_space<vmem>> -> memref<40xi32, #tpu.memory_space<vmem>>
      %dma_wait3A_216 = arith.constant 0 : i32
      %dma_wait3A_217 = arith.constant 0 : i32
      %dma_wait3A_218 = tpu.memref_slice %arg9[%dma_wait3A_216, %dma_wait3A_217] : memref<10000x16xf32, #tpu.memory_space<vmem_shared>> -> memref<10000x16xf32, #tpu.memory_space<vmem_shared>>
      tpu.wait_indirect_dma semaphore(%arg23 : memref<!tpu.dma_semaphore, #tpu.memory_space<semaphore_mem>>) src(%arg12 : memref<40x16xf32, #tpu.memory_space<vmem>>) dst(%dma_wait3A_218 : memref<10000x16xf32, #tpu.memory_space<vmem_shared>>)
      %add3A_219 = arith.constant 2 : i32
      %add3A_220 = arith.addi %add3A_187, %add3A_219 : i32
      %dma_start3A_221 = arith.constant 0 : i32
      %dma_start3A_222 = tpu.memref_slice %arg11[%add3A_220, %dma_start3A_221] : memref<250x40xi32, #tpu.memory_space<vmem>> -> memref<1x40xi32, #tpu.memory_space<vmem>>
      %dma_start3A_223 = tpu.memref_squeeze %dma_start3A_222 : memref<1x40xi32, #tpu.memory_space<vmem>> -> memref<40xi32, #tpu.memory_space<vmem>>
      %dma_start3A_224 = arith.constant 0 : i32
      %dma_start3A_225 = arith.constant 0 : i32
      %dma_start3A_226 = tpu.memref_slice %arg2[%dma_start3A_224, %dma_start3A_225] : memref<10000x128xf32, #tpu.memory_space<hbm>> -> memref<10000x128xf32, #tpu.memory_space<hbm>>
      tpu.enqueue_indirect_dma source(%dma_start3A_226 : memref<10000x128xf32, #tpu.memory_space<hbm>>) target(%arg14 : memref<40x128xf32, #tpu.memory_space<vmem>>) offsets(%dma_start3A_223 : memref<40xi32, #tpu.memory_space<vmem>>) semaphore(%arg17 : memref<!tpu.dma_semaphore, #tpu.memory_space<semaphore_mem>>)
      %add3A_227 = arith.constant 1 : i32
      %add3A_228 = arith.addi %add3A_187, %add3A_227 : i32
      %dma_wait3A_229 = arith.constant 0 : i32
      %dma_wait3A_230 = tpu.memref_slice %arg11[%add3A_228, %dma_wait3A_229] : memref<250x40xi32, #tpu.memory_space<vmem>> -> memref<1x40xi32, #tpu.memory_space<vmem>>
      %dma_wait3A_231 = tpu.memref_squeeze %dma_wait3A_230 : memref<1x40xi32, #tpu.memory_space<vmem>> -> memref<40xi32, #tpu.memory_space<vmem>>
      %dma_wait3A_232 = arith.constant 0 : i32
      %dma_wait3A_233 = arith.constant 0 : i32
      %dma_wait3A_234 = tpu.memref_slice %arg2[%dma_wait3A_232, %dma_wait3A_233] : memref<10000x128xf32, #tpu.memory_space<hbm>> -> memref<10000x128xf32, #tpu.memory_space<hbm>>
      tpu.wait_indirect_dma semaphore(%arg16 : memref<!tpu.dma_semaphore, #tpu.memory_space<semaphore_mem>>) src(%dma_wait3A_234 : memref<10000x128xf32, #tpu.memory_space<hbm>>) dst(%arg13 : memref<40x128xf32, #tpu.memory_space<vmem>>)
      %dma_start3A_235 = arith.constant 0 : i32
      %dma_start3A_236 = tpu.memref_slice %arg10[%add3A_228, %dma_start3A_235] : memref<250x40xi32, #tpu.memory_space<vmem>> -> memref<1x40xi32, #tpu.memory_space<vmem>>
      %dma_start3A_237 = tpu.memref_squeeze %dma_start3A_236 : memref<1x40xi32, #tpu.memory_space<vmem>> -> memref<40xi32, #tpu.memory_space<vmem>>
      %dma_start3A_238 = arith.constant 0 : i32
      %dma_start3A_239 = arith.constant 0 : i32
      %dma_start3A_240 = tpu.memref_slice %arg8[%dma_start3A_238, %dma_start3A_239] : memref<10000x128xf32, #tpu.memory_space<vmem_shared>> -> memref<10000x128xf32, #tpu.memory_space<vmem_shared>>
      tpu.enqueue_indirect_dma source(%arg13 : memref<40x128xf32, #tpu.memory_space<vmem>>) target(%dma_start3A_240 : memref<10000x128xf32, #tpu.memory_space<vmem_shared>>) offsets(%dma_start3A_237 : memref<40xi32, #tpu.memory_space<vmem>>) semaphore(%arg19 : memref<!tpu.dma_semaphore, #tpu.memory_space<semaphore_mem>>) {add = true}
      %dma_start3A_241 = arith.constant 0 : i32
      %dma_start3A_242 = tpu.memref_slice %arg10[%add3A_228, %dma_start3A_241] : memref<250x40xi32, #tpu.memory_space<vmem>> -> memref<1x40xi32, #tpu.memory_space<vmem>>
      %dma_start3A_243 = tpu.memref_squeeze %dma_start3A_242 : memref<1x40xi32, #tpu.memory_space<vmem>> -> memref<40xi32, #tpu.memory_space<vmem>>
      %dma_start3A_244 = arith.constant 0 : i32
      %dma_start3A_245 = arith.constant 0 : i32
      %dma_start3A_246 = tpu.memref_slice %arg9[%dma_start3A_244, %dma_start3A_245] : memref<10000x16xf32, #tpu.memory_space<vmem_shared>> -> memref<10000x16xf32, #tpu.memory_space<vmem_shared>>
      tpu.enqueue_indirect_dma source(%arg12 : memref<40x16xf32, #tpu.memory_space<vmem>>) target(%dma_start3A_246 : memref<10000x16xf32, #tpu.memory_space<vmem_shared>>) offsets(%dma_start3A_243 : memref<40xi32, #tpu.memory_space<vmem>>) semaphore(%arg22 : memref<!tpu.dma_semaphore, #tpu.memory_space<semaphore_mem>>) {add = true}
      %sub3A_247 = arith.constant 1 : i32
      %sub3A_248 = arith.subi %add3A_228, %sub3A_247 : i32
      %dma_wait3A_249 = arith.constant 0 : i32
      %dma_wait3A_250 = tpu.memref_slice %arg10[%sub3A_248, %dma_wait3A_249] : memref<250x40xi32, #tpu.memory_space<vmem>> -> memref<1x40xi32, #tpu.memory_space<vmem>>
      %dma_wait3A_251 = tpu.memref_squeeze %dma_wait3A_250 : memref<1x40xi32, #tpu.memory_space<vmem>> -> memref<40xi32, #tpu.memory_space<vmem>>
      %dma_wait3A_252 = arith.constant 0 : i32
      %dma_wait3A_253 = arith.constant 0 : i32
      %dma_wait3A_254 = tpu.memref_slice %arg8[%dma_wait3A_252, %dma_wait3A_253] : memref<10000x128xf32, #tpu.memory_space<vmem_shared>> -> memref<10000x128xf32, #tpu.memory_space<vmem_shared>>
      tpu.wait_indirect_dma semaphore(%arg21 : memref<!tpu.dma_semaphore, #tpu.memory_space<semaphore_mem>>) src(%arg15 : memref<40x128xf32, #tpu.memory_space<vmem>>) dst(%dma_wait3A_254 : memref<10000x128xf32, #tpu.memory_space<vmem_shared>>)
      %dma_wait3A_255 = arith.constant 0 : i32
      %dma_wait3A_256 = tpu.memref_slice %arg10[%sub3A_248, %dma_wait3A_255] : memref<250x40xi32, #tpu.memory_space<vmem>> -> memref<1x40xi32, #tpu.memory_space<vmem>>
      %dma_wait3A_257 = tpu.memref_squeeze %dma_wait3A_256 : memref<1x40xi32, #tpu.memory_space<vmem>> -> memref<40xi32, #tpu.memory_space<vmem>>
      %dma_wait3A_258 = arith.constant 0 : i32
      %dma_wait3A_259 = arith.constant 0 : i32
      %dma_wait3A_260 = tpu.memref_slice %arg9[%dma_wait3A_258, %dma_wait3A_259] : memref<10000x16xf32, #tpu.memory_space<vmem_shared>> -> memref<10000x16xf32, #tpu.memory_space<vmem_shared>>
      tpu.wait_indirect_dma semaphore(%arg24 : memref<!tpu.dma_semaphore, #tpu.memory_space<semaphore_mem>>) src(%arg12 : memref<40x16xf32, #tpu.memory_space<vmem>>) dst(%dma_wait3A_260 : memref<10000x16xf32, #tpu.memory_space<vmem_shared>>)
      %add3A_261 = arith.constant 2 : i32
      %add3A_262 = arith.addi %add3A_228, %add3A_261 : i32
      %dma_start3A_263 = arith.constant 0 : i32
      %dma_start3A_264 = tpu.memref_slice %arg11[%add3A_262, %dma_start3A_263] : memref<250x40xi32, #tpu.memory_space<vmem>> -> memref<1x40xi32, #tpu.memory_space<vmem>>
      %dma_start3A_265 = tpu.memref_squeeze %dma_start3A_264 : memref<1x40xi32, #tpu.memory_space<vmem>> -> memref<40xi32, #tpu.memory_space<vmem>>
      %dma_start3A_266 = arith.constant 0 : i32
      %dma_start3A_267 = arith.constant 0 : i32
      %dma_start3A_268 = tpu.memref_slice %arg2[%dma_start3A_266, %dma_start3A_267] : memref<10000x128xf32, #tpu.memory_space<hbm>> -> memref<10000x128xf32, #tpu.memory_space<hbm>>
      tpu.enqueue_indirect_dma source(%dma_start3A_268 : memref<10000x128xf32, #tpu.memory_space<hbm>>) target(%arg15 : memref<40x128xf32, #tpu.memory_space<vmem>>) offsets(%dma_start3A_265 : memref<40xi32, #tpu.memory_space<vmem>>) semaphore(%arg18 : memref<!tpu.dma_semaphore, #tpu.memory_space<semaphore_mem>>)
      %add3A_269 = arith.constant 2 : i32
      %add3A_270 = arith.addi %add3A_187, %add3A_269 : i32
      %dma_wait3A_271 = arith.constant 0 : i32
      %dma_wait3A_272 = tpu.memref_slice %arg11[%add3A_270, %dma_wait3A_271] : memref<250x40xi32, #tpu.memory_space<vmem>> -> memref<1x40xi32, #tpu.memory_space<vmem>>
      %dma_wait3A_273 = tpu.memref_squeeze %dma_wait3A_272 : memref<1x40xi32, #tpu.memory_space<vmem>> -> memref<40xi32, #tpu.memory_space<vmem>>
      %dma_wait3A_274 = arith.constant 0 : i32
      %dma_wait3A_275 = arith.constant 0 : i32
      %dma_wait3A_276 = tpu.memref_slice %arg2[%dma_wait3A_274, %dma_wait3A_275] : memref<10000x128xf32, #tpu.memory_space<hbm>> -> memref<10000x128xf32, #tpu.memory_space<hbm>>
      tpu.wait_indirect_dma semaphore(%arg17 : memref<!tpu.dma_semaphore, #tpu.memory_space<semaphore_mem>>) src(%dma_wait3A_276 : memref<10000x128xf32, #tpu.memory_space<hbm>>) dst(%arg14 : memref<40x128xf32, #tpu.memory_space<vmem>>)
      %dma_start3A_277 = arith.constant 0 : i32
      %dma_start3A_278 = tpu.memref_slice %arg10[%add3A_270, %dma_start3A_277] : memref<250x40xi32, #tpu.memory_space<vmem>> -> memref<1x40xi32, #tpu.memory_space<vmem>>
      %dma_start3A_279 = tpu.memref_squeeze %dma_start3A_278 : memref<1x40xi32, #tpu.memory_space<vmem>> -> memref<40xi32, #tpu.memory_space<vmem>>
      %dma_start3A_280 = arith.constant 0 : i32
      %dma_start3A_281 = arith.constant 0 : i32
      %dma_start3A_282 = tpu.memref_slice %arg8[%dma_start3A_280, %dma_start3A_281] : memref<10000x128xf32, #tpu.memory_space<vmem_shared>> -> memref<10000x128xf32, #tpu.memory_space<vmem_shared>>
      tpu.enqueue_indirect_dma source(%arg14 : memref<40x128xf32, #tpu.memory_space<vmem>>) target(%dma_start3A_282 : memref<10000x128xf32, #tpu.memory_space<vmem_shared>>) offsets(%dma_start3A_279 : memref<40xi32, #tpu.memory_space<vmem>>) semaphore(%arg20 : memref<!tpu.dma_semaphore, #tpu.memory_space<semaphore_mem>>) {add = true}
      %dma_start3A_283 = arith.constant 0 : i32
      %dma_start3A_284 = tpu.memref_slice %arg10[%add3A_270, %dma_start3A_283] : memref<250x40xi32, #tpu.memory_space<vmem>> -> memref<1x40xi32, #tpu.memory_space<vmem>>
      %dma_start3A_285 = tpu.memref_squeeze %dma_start3A_284 : memref<1x40xi32, #tpu.memory_space<vmem>> -> memref<40xi32, #tpu.memory_space<vmem>>
      %dma_start3A_286 = arith.constant 0 : i32
      %dma_start3A_287 = arith.constant 0 : i32
      %dma_start3A_288 = tpu.memref_slice %arg9[%dma_start3A_286, %dma_start3A_287] : memref<10000x16xf32, #tpu.memory_space<vmem_shared>> -> memref<10000x16xf32, #tpu.memory_space<vmem_shared>>
      tpu.enqueue_indirect_dma source(%arg12 : memref<40x16xf32, #tpu.memory_space<vmem>>) target(%dma_start3A_288 : memref<10000x16xf32, #tpu.memory_space<vmem_shared>>) offsets(%dma_start3A_285 : memref<40xi32, #tpu.memory_space<vmem>>) semaphore(%arg23 : memref<!tpu.dma_semaphore, #tpu.memory_space<semaphore_mem>>) {add = true}
      %sub3A_289 = arith.constant 1 : i32
      %sub3A_290 = arith.subi %add3A_270, %sub3A_289 : i32
      %dma_wait3A_291 = arith.constant 0 : i32
      %dma_wait3A_292 = tpu.memref_slice %arg10[%sub3A_290, %dma_wait3A_291] : memref<250x40xi32, #tpu.memory_space<vmem>> -> memref<1x40xi32, #tpu.memory_space<vmem>>
      %dma_wait3A_293 = tpu.memref_squeeze %dma_wait3A_292 : memref<1x40xi32, #tpu.memory_space<vmem>> -> memref<40xi32, #tpu.memory_space<vmem>>
      %dma_wait3A_294 = arith.constant 0 : i32
      %dma_wait3A_295 = arith.constant 0 : i32
      %dma_wait3A_296 = tpu.memref_slice %arg8[%dma_wait3A_294, %dma_wait3A_295] : memref<10000x128xf32, #tpu.memory_space<vmem_shared>> -> memref<10000x128xf32, #tpu.memory_space<vmem_shared>>
      tpu.wait_indirect_dma semaphore(%arg19 : memref<!tpu.dma_semaphore, #tpu.memory_space<semaphore_mem>>) src(%arg13 : memref<40x128xf32, #tpu.memory_space<vmem>>) dst(%dma_wait3A_296 : memref<10000x128xf32, #tpu.memory_space<vmem_shared>>)
      %dma_wait3A_297 = arith.constant 0 : i32
      %dma_wait3A_298 = tpu.memref_slice %arg10[%sub3A_290, %dma_wait3A_297] : memref<250x40xi32, #tpu.memory_space<vmem>> -> memref<1x40xi32, #tpu.memory_space<vmem>>
      %dma_wait3A_299 = tpu.memref_squeeze %dma_wait3A_298 : memref<1x40xi32, #tpu.memory_space<vmem>> -> memref<40xi32, #tpu.memory_space<vmem>>
      %dma_wait3A_300 = arith.constant 0 : i32
      %dma_wait3A_301 = arith.constant 0 : i32
      %dma_wait3A_302 = tpu.memref_slice %arg9[%dma_wait3A_300, %dma_wait3A_301] : memref<10000x16xf32, #tpu.memory_space<vmem_shared>> -> memref<10000x16xf32, #tpu.memory_space<vmem_shared>>
      tpu.wait_indirect_dma semaphore(%arg22 : memref<!tpu.dma_semaphore, #tpu.memory_space<semaphore_mem>>) src(%arg12 : memref<40x16xf32, #tpu.memory_space<vmem>>) dst(%dma_wait3A_302 : memref<10000x16xf32, #tpu.memory_space<vmem_shared>>)
      %add3A_303 = arith.constant 2 : i32
      %add3A_304 = arith.addi %add3A_270, %add3A_303 : i32
      %dma_start3A_305 = arith.constant 0 : i32
      %dma_start3A_306 = tpu.memref_slice %arg11[%add3A_304, %dma_start3A_305] : memref<250x40xi32, #tpu.memory_space<vmem>> -> memref<1x40xi32, #tpu.memory_space<vmem>>
      %dma_start3A_307 = tpu.memref_squeeze %dma_start3A_306 : memref<1x40xi32, #tpu.memory_space<vmem>> -> memref<40xi32, #tpu.memory_space<vmem>>
      %dma_start3A_308 = arith.constant 0 : i32
      %dma_start3A_309 = arith.constant 0 : i32
      %dma_start3A_310 = tpu.memref_slice %arg2[%dma_start3A_308, %dma_start3A_309] : memref<10000x128xf32, #tpu.memory_space<hbm>> -> memref<10000x128xf32, #tpu.memory_space<hbm>>
      tpu.enqueue_indirect_dma source(%dma_start3A_310 : memref<10000x128xf32, #tpu.memory_space<hbm>>) target(%arg13 : memref<40x128xf32, #tpu.memory_space<vmem>>) offsets(%dma_start3A_307 : memref<40xi32, #tpu.memory_space<vmem>>) semaphore(%arg16 : memref<!tpu.dma_semaphore, #tpu.memory_space<semaphore_mem>>)
    }
    %scan3A_92 = arith.constant 82 : i32
    %dma_wait3A_93 = arith.constant 248 : i32
    %dma_wait3A_94 = arith.constant 0 : i32
    %dma_wait3A_95 = tpu.memref_slice %arg11[%dma_wait3A_93, %dma_wait3A_94] : memref<250x40xi32, #tpu.memory_space<vmem>> -> memref<1x40xi32, #tpu.memory_space<vmem>>
    %dma_wait3A_96 = tpu.memref_squeeze %dma_wait3A_95 : memref<1x40xi32, #tpu.memory_space<vmem>> -> memref<40xi32, #tpu.memory_space<vmem>>
    %dma_wait3A_97 = arith.constant 0 : i32
    %dma_wait3A_98 = arith.constant 0 : i32
    %dma_wait3A_99 = tpu.memref_slice %arg2[%dma_wait3A_97, %dma_wait3A_98] : memref<10000x128xf32, #tpu.memory_space<hbm>> -> memref<10000x128xf32, #tpu.memory_space<hbm>>
    tpu.wait_indirect_dma semaphore(%arg18 : memref<!tpu.dma_semaphore, #tpu.memory_space<semaphore_mem>>) src(%dma_wait3A_99 : memref<10000x128xf32, #tpu.memory_space<hbm>>) dst(%arg15 : memref<40x128xf32, #tpu.memory_space<vmem>>)
    %dma_start3A_100 = arith.constant 248 : i32
    %dma_start3A_101 = arith.constant 0 : i32
    %dma_start3A_102 = tpu.memref_slice %arg10[%dma_start3A_100, %dma_start3A_101] : memref<250x40xi32, #tpu.memory_space<vmem>> -> memref<1x40xi32, #tpu.memory_space<vmem>>
    %dma_start3A_103 = tpu.memref_squeeze %dma_start3A_102 : memref<1x40xi32, #tpu.memory_space<vmem>> -> memref<40xi32, #tpu.memory_space<vmem>>
    %dma_start3A_104 = arith.constant 0 : i32
    %dma_start3A_105 = arith.constant 0 : i32
    %dma_start3A_106 = tpu.memref_slice %arg8[%dma_start3A_104, %dma_start3A_105] : memref<10000x128xf32, #tpu.memory_space<vmem_shared>> -> memref<10000x128xf32, #tpu.memory_space<vmem_shared>>
    tpu.enqueue_indirect_dma source(%arg15 : memref<40x128xf32, #tpu.memory_space<vmem>>) target(%dma_start3A_106 : memref<10000x128xf32, #tpu.memory_space<vmem_shared>>) offsets(%dma_start3A_103 : memref<40xi32, #tpu.memory_space<vmem>>) semaphore(%arg21 : memref<!tpu.dma_semaphore, #tpu.memory_space<semaphore_mem>>) {add = true}
    %dma_start3A_107 = arith.constant 248 : i32
    %dma_start3A_108 = arith.constant 0 : i32
    %dma_start3A_109 = tpu.memref_slice %arg10[%dma_start3A_107, %dma_start3A_108] : memref<250x40xi32, #tpu.memory_space<vmem>> -> memref<1x40xi32, #tpu.memory_space<vmem>>
    %dma_start3A_110 = tpu.memref_squeeze %dma_start3A_109 : memref<1x40xi32, #tpu.memory_space<vmem>> -> memref<40xi32, #tpu.memory_space<vmem>>
    %dma_start3A_111 = arith.constant 0 : i32
    %dma_start3A_112 = arith.constant 0 : i32
    %dma_start3A_113 = tpu.memref_slice %arg9[%dma_start3A_111, %dma_start3A_112] : memref<10000x16xf32, #tpu.memory_space<vmem_shared>> -> memref<10000x16xf32, #tpu.memory_space<vmem_shared>>
    tpu.enqueue_indirect_dma source(%arg12 : memref<40x16xf32, #tpu.memory_space<vmem>>) target(%dma_start3A_113 : memref<10000x16xf32, #tpu.memory_space<vmem_shared>>) offsets(%dma_start3A_110 : memref<40xi32, #tpu.memory_space<vmem>>) semaphore(%arg24 : memref<!tpu.dma_semaphore, #tpu.memory_space<semaphore_mem>>) {add = true}
    %dma_wait3A_114 = arith.constant 249 : i32
    %dma_wait3A_115 = arith.constant 0 : i32
    %dma_wait3A_116 = tpu.memref_slice %arg11[%dma_wait3A_114, %dma_wait3A_115] : memref<250x40xi32, #tpu.memory_space<vmem>> -> memref<1x40xi32, #tpu.memory_space<vmem>>
    %dma_wait3A_117 = tpu.memref_squeeze %dma_wait3A_116 : memref<1x40xi32, #tpu.memory_space<vmem>> -> memref<40xi32, #tpu.memory_space<vmem>>
    %dma_wait3A_118 = arith.constant 0 : i32
    %dma_wait3A_119 = arith.constant 0 : i32
    %dma_wait3A_120 = tpu.memref_slice %arg2[%dma_wait3A_118, %dma_wait3A_119] : memref<10000x128xf32, #tpu.memory_space<hbm>> -> memref<10000x128xf32, #tpu.memory_space<hbm>>
    tpu.wait_indirect_dma semaphore(%arg16 : memref<!tpu.dma_semaphore, #tpu.memory_space<semaphore_mem>>) src(%dma_wait3A_120 : memref<10000x128xf32, #tpu.memory_space<hbm>>) dst(%arg13 : memref<40x128xf32, #tpu.memory_space<vmem>>)
    %dma_start3A_121 = arith.constant 249 : i32
    %dma_start3A_122 = arith.constant 0 : i32
    %dma_start3A_123 = tpu.memref_slice %arg10[%dma_start3A_121, %dma_start3A_122] : memref<250x40xi32, #tpu.memory_space<vmem>> -> memref<1x40xi32, #tpu.memory_space<vmem>>
    %dma_start3A_124 = tpu.memref_squeeze %dma_start3A_123 : memref<1x40xi32, #tpu.memory_space<vmem>> -> memref<40xi32, #tpu.memory_space<vmem>>
    %dma_start3A_125 = arith.constant 0 : i32
    %dma_start3A_126 = arith.constant 0 : i32
    %dma_start3A_127 = tpu.memref_slice %arg8[%dma_start3A_125, %dma_start3A_126] : memref<10000x128xf32, #tpu.memory_space<vmem_shared>> -> memref<10000x128xf32, #tpu.memory_space<vmem_shared>>
    tpu.enqueue_indirect_dma source(%arg13 : memref<40x128xf32, #tpu.memory_space<vmem>>) target(%dma_start3A_127 : memref<10000x128xf32, #tpu.memory_space<vmem_shared>>) offsets(%dma_start3A_124 : memref<40xi32, #tpu.memory_space<vmem>>) semaphore(%arg19 : memref<!tpu.dma_semaphore, #tpu.memory_space<semaphore_mem>>) {add = true}
    %dma_start3A_128 = arith.constant 249 : i32
    %dma_start3A_129 = arith.constant 0 : i32
    %dma_start3A_130 = tpu.memref_slice %arg10[%dma_start3A_128, %dma_start3A_129] : memref<250x40xi32, #tpu.memory_space<vmem>> -> memref<1x40xi32, #tpu.memory_space<vmem>>
    %dma_start3A_131 = tpu.memref_squeeze %dma_start3A_130 : memref<1x40xi32, #tpu.memory_space<vmem>> -> memref<40xi32, #tpu.memory_space<vmem>>
    %dma_start3A_132 = arith.constant 0 : i32
    %dma_start3A_133 = arith.constant 0 : i32
    %dma_start3A_134 = tpu.memref_slice %arg9[%dma_start3A_132, %dma_start3A_133] : memref<10000x16xf32, #tpu.memory_space<vmem_shared>> -> memref<10000x16xf32, #tpu.memory_space<vmem_shared>>
    tpu.enqueue_indirect_dma source(%arg12 : memref<40x16xf32, #tpu.memory_space<vmem>>) target(%dma_start3A_134 : memref<10000x16xf32, #tpu.memory_space<vmem_shared>>) offsets(%dma_start3A_131 : memref<40xi32, #tpu.memory_space<vmem>>) semaphore(%arg22 : memref<!tpu.dma_semaphore, #tpu.memory_space<semaphore_mem>>) {add = true}
    %dma_wait3A_135 = arith.constant 247 : i32
    %dma_wait3A_136 = arith.constant 0 : i32
    %dma_wait3A_137 = tpu.memref_slice %arg10[%dma_wait3A_135, %dma_wait3A_136] : memref<250x40xi32, #tpu.memory_space<vmem>> -> memref<1x40xi32, #tpu.memory_space<vmem>>
    %dma_wait3A_138 = tpu.memref_squeeze %dma_wait3A_137 : memref<1x40xi32, #tpu.memory_space<vmem>> -> memref<40xi32, #tpu.memory_space<vmem>>
    %dma_wait3A_139 = arith.constant 0 : i32
    %dma_wait3A_140 = arith.constant 0 : i32
    %dma_wait3A_141 = tpu.memref_slice %arg8[%dma_wait3A_139, %dma_wait3A_140] : memref<10000x128xf32, #tpu.memory_space<vmem_shared>> -> memref<10000x128xf32, #tpu.memory_space<vmem_shared>>
    tpu.wait_indirect_dma semaphore(%arg20 : memref<!tpu.dma_semaphore, #tpu.memory_space<semaphore_mem>>) src(%arg14 : memref<40x128xf32, #tpu.memory_space<vmem>>) dst(%dma_wait3A_141 : memref<10000x128xf32, #tpu.memory_space<vmem_shared>>)
    %dma_wait3A_142 = arith.constant 247 : i32
    %dma_wait3A_143 = arith.constant 0 : i32
    %dma_wait3A_144 = tpu.memref_slice %arg10[%dma_wait3A_142, %dma_wait3A_143] : memref<250x40xi32, #tpu.memory_space<vmem>> -> memref<1x40xi32, #tpu.memory_space<vmem>>
    %dma_wait3A_145 = tpu.memref_squeeze %dma_wait3A_144 : memref<1x40xi32, #tpu.memory_space<vmem>> -> memref<40xi32, #tpu.memory_space<vmem>>
    %dma_wait3A_146 = arith.constant 0 : i32
    %dma_wait3A_147 = arith.constant 0 : i32
    %dma_wait3A_148 = tpu.memref_slice %arg9[%dma_wait3A_146, %dma_wait3A_147] : memref<10000x16xf32, #tpu.memory_space<vmem_shared>> -> memref<10000x16xf32, #tpu.memory_space<vmem_shared>>
    tpu.wait_indirect_dma semaphore(%arg23 : memref<!tpu.dma_semaphore, #tpu.memory_space<semaphore_mem>>) src(%arg12 : memref<40x16xf32, #tpu.memory_space<vmem>>) dst(%dma_wait3A_148 : memref<10000x16xf32, #tpu.memory_space<vmem_shared>>)
    %dma_wait3A_149 = arith.constant 248 : i32
    %dma_wait3A_150 = arith.constant 0 : i32
    %dma_wait3A_151 = tpu.memref_slice %arg10[%dma_wait3A_149, %dma_wait3A_150] : memref<250x40xi32, #tpu.memory_space<vmem>> -> memref<1x40xi32, #tpu.memory_space<vmem>>
    %dma_wait3A_152 = tpu.memref_squeeze %dma_wait3A_151 : memref<1x40xi32, #tpu.memory_space<vmem>> -> memref<40xi32, #tpu.memory_space<vmem>>
    %dma_wait3A_153 = arith.constant 0 : i32
    %dma_wait3A_154 = arith.constant 0 : i32
    %dma_wait3A_155 = tpu.memref_slice %arg8[%dma_wait3A_153, %dma_wait3A_154] : memref<10000x128xf32, #tpu.memory_space<vmem_shared>> -> memref<10000x128xf32, #tpu.memory_space<vmem_shared>>
    tpu.wait_indirect_dma semaphore(%arg21 : memref<!tpu.dma_semaphore, #tpu.memory_space<semaphore_mem>>) src(%arg15 : memref<40x128xf32, #tpu.memory_space<vmem>>) dst(%dma_wait3A_155 : memref<10000x128xf32, #tpu.memory_space<vmem_shared>>)
    %dma_wait3A_156 = arith.constant 248 : i32
    %dma_wait3A_157 = arith.constant 0 : i32
    %dma_wait3A_158 = tpu.memref_slice %arg10[%dma_wait3A_156, %dma_wait3A_157] : memref<250x40xi32, #tpu.memory_space<vmem>> -> memref<1x40xi32, #tpu.memory_space<vmem>>
    %dma_wait3A_159 = tpu.memref_squeeze %dma_wait3A_158 : memref<1x40xi32, #tpu.memory_space<vmem>> -> memref<40xi32, #tpu.memory_space<vmem>>
    %dma_wait3A_160 = arith.constant 0 : i32
    %dma_wait3A_161 = arith.constant 0 : i32
    %dma_wait3A_162 = tpu.memref_slice %arg9[%dma_wait3A_160, %dma_wait3A_161] : memref<10000x16xf32, #tpu.memory_space<vmem_shared>> -> memref<10000x16xf32, #tpu.memory_space<vmem_shared>>
    tpu.wait_indirect_dma semaphore(%arg24 : memref<!tpu.dma_semaphore, #tpu.memory_space<semaphore_mem>>) src(%arg12 : memref<40x16xf32, #tpu.memory_space<vmem>>) dst(%dma_wait3A_162 : memref<10000x16xf32, #tpu.memory_space<vmem_shared>>)
    %dma_wait3A_163 = arith.constant 249 : i32
    %dma_wait3A_164 = arith.constant 0 : i32
    %dma_wait3A_165 = tpu.memref_slice %arg10[%dma_wait3A_163, %dma_wait3A_164] : memref<250x40xi32, #tpu.memory_space<vmem>> -> memref<1x40xi32, #tpu.memory_space<vmem>>
    %dma_wait3A_166 = tpu.memref_squeeze %dma_wait3A_165 : memref<1x40xi32, #tpu.memory_space<vmem>> -> memref<40xi32, #tpu.memory_space<vmem>>
    %dma_wait3A_167 = arith.constant 0 : i32
    %dma_wait3A_168 = arith.constant 0 : i32
    %dma_wait3A_169 = tpu.memref_slice %arg8[%dma_wait3A_167, %dma_wait3A_168] : memref<10000x128xf32, #tpu.memory_space<vmem_shared>> -> memref<10000x128xf32, #tpu.memory_space<vmem_shared>>
    tpu.wait_indirect_dma semaphore(%arg19 : memref<!tpu.dma_semaphore, #tpu.memory_space<semaphore_mem>>) src(%arg13 : memref<40x128xf32, #tpu.memory_space<vmem>>) dst(%dma_wait3A_169 : memref<10000x128xf32, #tpu.memory_space<vmem_shared>>)
    %dma_wait3A_170 = arith.constant 249 : i32
    %dma_wait3A_171 = arith.constant 0 : i32
    %dma_wait3A_172 = tpu.memref_slice %arg10[%dma_wait3A_170, %dma_wait3A_171] : memref<250x40xi32, #tpu.memory_space<vmem>> -> memref<1x40xi32, #tpu.memory_space<vmem>>
    %dma_wait3A_173 = tpu.memref_squeeze %dma_wait3A_172 : memref<1x40xi32, #tpu.memory_space<vmem>> -> memref<40xi32, #tpu.memory_space<vmem>>
    %dma_wait3A_174 = arith.constant 0 : i32
    %dma_wait3A_175 = arith.constant 0 : i32
    %dma_wait3A_176 = tpu.memref_slice %arg9[%dma_wait3A_174, %dma_wait3A_175] : memref<10000x16xf32, #tpu.memory_space<vmem_shared>> -> memref<10000x16xf32, #tpu.memory_space<vmem_shared>>
    tpu.wait_indirect_dma semaphore(%arg22 : memref<!tpu.dma_semaphore, #tpu.memory_space<semaphore_mem>>) src(%arg12 : memref<40x16xf32, #tpu.memory_space<vmem>>) dst(%dma_wait3A_176 : memref<10000x16xf32, #tpu.memory_space<vmem_shared>>)
    %barrier3A_177 = arith.constant 0 : index
    tpu.barrier barrier_id(%barrier3A_177)
    "tpu.region"() ({
      %run_scoped3A_183 = tpu.sem_alloc : memref<!tpu.dma_semaphore, #tpu.memory_space<semaphore_mem>>
      %dma_start3A_184 = arith.constant 0 : i32
      %dma_start3A_185 = tpu.memref_slice %arg6[%arg0, %mul3A_2, %dma_start3A_184] : memref<2x10000x128xf32, #tpu.memory_space<hbm>> -> memref<1x624x128xf32, #tpu.memory_space<hbm>>
      %dma_start3A_186 = tpu.memref_squeeze %dma_start3A_185 : memref<1x624x128xf32, #tpu.memory_space<hbm>> -> memref<624x128xf32, #tpu.memory_space<hbm>>
      %dma_start3A_187 = arith.constant 0 : i32
      %dma_start3A_188 = tpu.memref_slice %arg8[%mul3A_2, %dma_start3A_187] : memref<10000x128xf32, #tpu.memory_space<vmem_shared>> -> memref<624x128xf32, #tpu.memory_space<vmem_shared>>
      tpu.enqueue_dma source(%dma_start3A_188 : memref<624x128xf32, #tpu.memory_space<vmem_shared>>) target(%dma_start3A_186 : memref<624x128xf32, #tpu.memory_space<hbm>>) target_semaphore(%run_scoped3A_183 : memref<!tpu.dma_semaphore, #tpu.memory_space<semaphore_mem>>)
      %dma_wait3A_189 = arith.constant 0 : i32
      %dma_wait3A_190 = tpu.memref_slice %arg6[%arg0, %mul3A_2, %dma_wait3A_189] : memref<2x10000x128xf32, #tpu.memory_space<hbm>> -> memref<1x624x128xf32, #tpu.memory_space<hbm>>
      %dma_wait3A_191 = tpu.memref_squeeze %dma_wait3A_190 : memref<1x624x128xf32, #tpu.memory_space<hbm>> -> memref<624x128xf32, #tpu.memory_space<hbm>>
      %dma_wait3A_192 = arith.constant 0 : i32
      %dma_wait3A_193 = tpu.memref_slice %arg8[%mul3A_2, %dma_wait3A_192] : memref<10000x128xf32, #tpu.memory_space<vmem_shared>> -> memref<624x128xf32, #tpu.memory_space<vmem_shared>>
      tpu.wait_dma2 semaphore(%run_scoped3A_183 : memref<!tpu.dma_semaphore, #tpu.memory_space<semaphore_mem>>) src(%dma_wait3A_193 : memref<624x128xf32, #tpu.memory_space<vmem_shared>>) dst(%dma_wait3A_191 : memref<624x128xf32, #tpu.memory_space<hbm>>)
      tpu.yield
    }) : () -> ()
    "tpu.region"() ({
      %run_scoped3A_183 = tpu.sem_alloc : memref<!tpu.dma_semaphore, #tpu.memory_space<semaphore_mem>>
      %dma_start3A_184 = arith.constant 0 : i32
      %dma_start3A_185 = tpu.memref_slice %arg7[%arg0, %mul3A_2, %dma_start3A_184] : memref<2x10000x16xf32, #tpu.memory_space<hbm>> -> memref<1x624x16xf32, #tpu.memory_space<hbm>>
      %dma_start3A_186 = tpu.memref_squeeze %dma_start3A_185 : memref<1x624x16xf32, #tpu.memory_space<hbm>> -> memref<624x16xf32, #tpu.memory_space<hbm>>
      %dma_start3A_187 = arith.constant 0 : i32
      %dma_start3A_188 = tpu.memref_slice %arg9[%mul3A_2, %dma_start3A_187] : memref<10000x16xf32, #tpu.memory_space<vmem_shared>> -> memref<624x16xf32, #tpu.memory_space<vmem_shared>>
      tpu.enqueue_dma source(%dma_start3A_188 : memref<624x16xf32, #tpu.memory_space<vmem_shared>>) target(%dma_start3A_186 : memref<624x16xf32, #tpu.memory_space<hbm>>) target_semaphore(%run_scoped3A_183 : memref<!tpu.dma_semaphore, #tpu.memory_space<semaphore_mem>>)
      %dma_wait3A_189 = arith.constant 0 : i32
      %dma_wait3A_190 = tpu.memref_slice %arg7[%arg0, %mul3A_2, %dma_wait3A_189] : memref<2x10000x16xf32, #tpu.memory_space<hbm>> -> memref<1x624x16xf32, #tpu.memory_space<hbm>>
      %dma_wait3A_191 = tpu.memref_squeeze %dma_wait3A_190 : memref<1x624x16xf32, #tpu.memory_space<hbm>> -> memref<624x16xf32, #tpu.memory_space<hbm>>
      %dma_wait3A_192 = arith.constant 0 : i32
      %dma_wait3A_193 = tpu.memref_slice %arg9[%mul3A_2, %dma_wait3A_192] : memref<10000x16xf32, #tpu.memory_space<vmem_shared>> -> memref<624x16xf32, #tpu.memory_space<vmem_shared>>
      tpu.wait_dma2 semaphore(%run_scoped3A_183 : memref<!tpu.dma_semaphore, #tpu.memory_space<semaphore_mem>>) src(%dma_wait3A_193 : memref<624x16xf32, #tpu.memory_space<vmem_shared>>) dst(%dma_wait3A_191 : memref<624x16xf32, #tpu.memory_space<hbm>>)
      tpu.yield
    }) : () -> ()
    %eq3A_178 = arith.constant 15 : i32
    %eq3A_179 = arith.cmpi eq, %arg1, %eq3A_178 : i32
    %convert_element_type3A_180 = arith.extui %eq3A_179 : i1 to i32
    %cond3A_181 = arith.constant 0 : i32
    %cond3A_182 = arith.cmpi ne, %convert_element_type3A_180, %cond3A_181 : i32
    scf.if %cond3A_182 {
      "tpu.region"() ({
        %run_scoped3A_183 = tpu.sem_alloc : memref<!tpu.dma_semaphore, #tpu.memory_space<semaphore_mem>>
        %dma_start3A_184 = arith.constant 9984 : i32
        %dma_start3A_185 = arith.constant 0 : i32
        %dma_start3A_186 = tpu.memref_slice %arg6[%arg0, %dma_start3A_184, %dma_start3A_185] : memref<2x10000x128xf32, #tpu.memory_space<hbm>> -> memref<1x16x128xf32, #tpu.memory_space<hbm>>
        %dma_start3A_187 = tpu.memref_squeeze %dma_start3A_186 : memref<1x16x128xf32, #tpu.memory_space<hbm>> -> memref<16x128xf32, #tpu.memory_space<hbm>>
        %dma_start3A_188 = arith.constant 9984 : i32
        %dma_start3A_189 = arith.constant 0 : i32
        %dma_start3A_190 = tpu.memref_slice %arg8[%dma_start3A_188, %dma_start3A_189] : memref<10000x128xf32, #tpu.memory_space<vmem_shared>> -> memref<16x128xf32, #tpu.memory_space<vmem_shared>>
        tpu.enqueue_dma source(%dma_start3A_190 : memref<16x128xf32, #tpu.memory_space<vmem_shared>>) target(%dma_start3A_187 : memref<16x128xf32, #tpu.memory_space<hbm>>) target_semaphore(%run_scoped3A_183 : memref<!tpu.dma_semaphore, #tpu.memory_space<semaphore_mem>>)
        %dma_wait3A_191 = arith.constant 9984 : i32
        %dma_wait3A_192 = arith.constant 0 : i32
        %dma_wait3A_193 = tpu.memref_slice %arg6[%arg0, %dma_wait3A_191, %dma_wait3A_192] : memref<2x10000x128xf32, #tpu.memory_space<hbm>> -> memref<1x16x128xf32, #tpu.memory_space<hbm>>
        %dma_wait3A_194 = tpu.memref_squeeze %dma_wait3A_193 : memref<1x16x128xf32, #tpu.memory_space<hbm>> -> memref<16x128xf32, #tpu.memory_space<hbm>>
        %dma_wait3A_195 = arith.constant 9984 : i32
        %dma_wait3A_196 = arith.constant 0 : i32
        %dma_wait3A_197 = tpu.memref_slice %arg8[%dma_wait3A_195, %dma_wait3A_196] : memref<10000x128xf32, #tpu.memory_space<vmem_shared>> -> memref<16x128xf32, #tpu.memory_space<vmem_shared>>
        tpu.wait_dma2 semaphore(%run_scoped3A_183 : memref<!tpu.dma_semaphore, #tpu.memory_space<semaphore_mem>>) src(%dma_wait3A_197 : memref<16x128xf32, #tpu.memory_space<vmem_shared>>) dst(%dma_wait3A_194 : memref<16x128xf32, #tpu.memory_space<hbm>>)
        tpu.yield
      }) : () -> ()
      "tpu.region"() ({
        %run_scoped3A_183 = tpu.sem_alloc : memref<!tpu.dma_semaphore, #tpu.memory_space<semaphore_mem>>
        %dma_start3A_184 = arith.constant 9984 : i32
        %dma_start3A_185 = arith.constant 0 : i32
        %dma_start3A_186 = tpu.memref_slice %arg7[%arg0, %dma_start3A_184, %dma_start3A_185] : memref<2x10000x16xf32, #tpu.memory_space<hbm>> -> memref<1x16x16xf32, #tpu.memory_space<hbm>>
        %dma_start3A_187 = tpu.memref_squeeze %dma_start3A_186 : memref<1x16x16xf32, #tpu.memory_space<hbm>> -> memref<16x16xf32, #tpu.memory_space<hbm>>
        %dma_start3A_188 = arith.constant 9984 : i32
        %dma_start3A_189 = arith.constant 0 : i32
        %dma_start3A_190 = tpu.memref_slice %arg9[%dma_start3A_188, %dma_start3A_189] : memref<10000x16xf32, #tpu.memory_space<vmem_shared>> -> memref<16x16xf32, #tpu.memory_space<vmem_shared>>
        tpu.enqueue_dma source(%dma_start3A_190 : memref<16x16xf32, #tpu.memory_space<vmem_shared>>) target(%dma_start3A_187 : memref<16x16xf32, #tpu.memory_space<hbm>>) target_semaphore(%run_scoped3A_183 : memref<!tpu.dma_semaphore, #tpu.memory_space<semaphore_mem>>)
        %dma_wait3A_191 = arith.constant 9984 : i32
        %dma_wait3A_192 = arith.constant 0 : i32
        %dma_wait3A_193 = tpu.memref_slice %arg7[%arg0, %dma_wait3A_191, %dma_wait3A_192] : memref<2x10000x16xf32, #tpu.memory_space<hbm>> -> memref<1x16x16xf32, #tpu.memory_space<hbm>>
        %dma_wait3A_194 = tpu.memref_squeeze %dma_wait3A_193 : memref<1x16x16xf32, #tpu.memory_space<hbm>> -> memref<16x16xf32, #tpu.memory_space<hbm>>
        %dma_wait3A_195 = arith.constant 9984 : i32
        %dma_wait3A_196 = arith.constant 0 : i32
        %dma_wait3A_197 = tpu.memref_slice %arg9[%dma_wait3A_195, %dma_wait3A_196] : memref<10000x16xf32, #tpu.memory_space<vmem_shared>> -> memref<16x16xf32, #tpu.memory_space<vmem_shared>>
        tpu.wait_dma2 semaphore(%run_scoped3A_183 : memref<!tpu.dma_semaphore, #tpu.memory_space<semaphore_mem>>) src(%dma_wait3A_197 : memref<16x16xf32, #tpu.memory_space<vmem_shared>>) dst(%dma_wait3A_194 : memref<16x16xf32, #tpu.memory_space<hbm>>)
        tpu.yield
      }) : () -> ()
    } else {
    }
    return
  }
}

module attributes {stable_mosaic.version = 14 : i64} {
  func.func @body(%arg0: i32, %arg1: memref<2000x128xf32, #tpu.memory_space<vmem>>, %arg2: memref<128x128xf32, #tpu.memory_space<vmem>>, %arg3: memref<1x128xf32, #tpu.memory_space<vmem>>, %arg4: memref<2000x128xf32, #tpu.memory_space<vmem>>) attributes {dimension_semantics = [#tpu.dimension_semantics<arbitrary>], iteration_bounds = array<i64: 5>, scalar_prefetch = 0 : i64, scratch_operands = 0 : i64, tpu.core_type = #tpu.core_type<tc>, window_params = [{transform_indices = @transform_0, window_bounds = array<i64: 2000, 128>}, {pipeline_mode = #tpu.pipeline_mode<synchronous>, transform_indices = @transform_1, window_bounds = array<i64: 128, 128>}, {pipeline_mode = #tpu.pipeline_mode<synchronous>, transform_indices = @transform_2, window_bounds = array<i64: 1, 128>}, {transform_indices = @transform_3, window_bounds = array<i64: 2000, 128>}]} {
    %get3A = arith.constant 0 : index
    %get3A_0 = arith.constant 0 : index
    %get3A_1 = vector.load %arg1[%get3A, %get3A_0] : memref<2000x128xf32, #tpu.memory_space<vmem>>, vector<2000x128xf32>
    %get3A_2 = arith.constant 0 : index
    %get3A_3 = arith.constant 0 : index
    %get3A_4 = vector.load %arg2[%get3A_2, %get3A_3] : memref<128x128xf32, #tpu.memory_space<vmem>>, vector<128x128xf32>
    %dot_general3A = arith.constant dense<0.000000e+00> : vector<2000x128xf32>
    %dot_general3A_5 = tpu.matmul %get3A_1, %get3A_4, %dot_general3A {dimension_numbers = #tpu.dot_dimension_numbers<[1], [0], [0], [1], [0, 0, 1, 1], [], []>, transpose_lhs_hint = false} : vector<2000x128xf32>, vector<128x128xf32>, vector<2000x128xf32> -> vector<2000x128xf32>
    %get3A_6 = arith.constant 0 : index
    %get3A_7 = arith.constant 0 : index
    %get3A_8 = vector.load %arg3[%get3A_6, %get3A_7] : memref<1x128xf32, #tpu.memory_space<vmem>>, vector<1x128xf32>
    %add3A = vector.broadcast %get3A_8 : vector<1x128xf32> to vector<2000x128xf32>
    %add3A_9 = arith.addf %dot_general3A_5, %add3A : vector<2000x128xf32>
    %max3A = arith.constant 0.000000e+00 : f32
    %max3A_10 = vector.broadcast %max3A : f32 to vector<2000x128xf32>
    %max3A_11 = arith.maximumf %add3A_9, %max3A_10 : vector<2000x128xf32>
    %swap3A = arith.constant 0 : index
    %swap3A_12 = arith.constant 0 : index
    %swap3A_13 = vector.load %arg4[%swap3A, %swap3A_12] : memref<2000x128xf32, #tpu.memory_space<vmem>>, vector<2000x128xf32>
    tpu.vector_store %arg4[%swap3A, %swap3A_12], %max3A_11 {strides = array<i32>} : memref<2000x128xf32, #tpu.memory_space<vmem>>, vector<2000x128xf32>,
    return
  }
  func.func @transform_0(%arg0: i32) -> (i32, i32) {
    %c0_i32 = arith.constant 0 : i32
    %c0_i32_0 = arith.constant 0 : i32
    return %arg0, %c0_i32 : i32, i32
  }
  func.func @transform_1(%arg0: i32) -> (i32, i32) {
    %c0_i32 = arith.constant 0 : i32
    %c0_i32_0 = arith.constant 0 : i32
    %c0_i32_1 = arith.constant 0 : i32
    return %c0_i32, %c0_i32_0 : i32, i32
  }
  func.func @transform_2(%arg0: i32) -> (i32, i32) {
    %c0_i32 = arith.constant 0 : i32
    %c0_i32_0 = arith.constant 0 : i32
    %c0_i32_1 = arith.constant 0 : i32
    return %c0_i32, %c0_i32_0 : i32, i32
  }
  func.func @transform_3(%arg0: i32) -> (i32, i32) {
    %c0_i32 = arith.constant 0 : i32
    %c0_i32_0 = arith.constant 0 : i32
    return %arg0, %c0_i32 : i32, i32
  }
}

module attributes {stable_mosaic.version = 14 : i64} {
  func.func @body(%arg0: i32, %arg1: memref<2x2000x128xf32, #tpu.memory_space<vmem>>, %arg2: memref<2x2000x16xf32, #tpu.memory_space<vmem>>, %arg3: memref<1x1xf32, #tpu.memory_space<vmem>>, %arg4: memref<2000x128xf32, #tpu.memory_space<vmem>>) attributes {dimension_semantics = [#tpu.dimension_semantics<arbitrary>], iteration_bounds = array<i64: 5>, scalar_prefetch = 0 : i64, scratch_operands = 0 : i64, tpu.core_type = #tpu.core_type<tc>, window_params = [{transform_indices = @transform_0, window_bounds = array<i64: 2, 2000, 128>}, {transform_indices = @transform_1, window_bounds = array<i64: 2, 2000, 16>}, {pipeline_mode = #tpu.pipeline_mode<synchronous>, transform_indices = @transform_2, window_bounds = array<i64: 1, 1>}, {transform_indices = @transform_3, window_bounds = array<i64: 2000, 128>}]} {
    %get3A = arith.constant 0 : index
    %get3A_0 = arith.constant 0 : index
    %get3A_1 = arith.constant 0 : index
    %get3A_2 = vector.load %arg1[%get3A, %get3A_0, %get3A_1] : memref<2x2000x128xf32, #tpu.memory_space<vmem>>, vector<1x2000x128xf32>
    %get3A_3 = vector.shape_cast %get3A_2 : vector<1x2000x128xf32> to vector<2000x128xf32>
    %get3A_4 = arith.constant 1 : index
    %get3A_5 = arith.constant 0 : index
    %get3A_6 = arith.constant 0 : index
    %get3A_7 = vector.load %arg1[%get3A_4, %get3A_5, %get3A_6] : memref<2x2000x128xf32, #tpu.memory_space<vmem>>, vector<1x2000x128xf32>
    %get3A_8 = vector.shape_cast %get3A_7 : vector<1x2000x128xf32> to vector<2000x128xf32>
    %add3A = arith.addf %get3A_3, %get3A_8 : vector<2000x128xf32>
    %get3A_9 = arith.constant 0 : index
    %get3A_10 = arith.constant 0 : index
    %get3A_11 = arith.constant 0 : index
    %get3A_12 = vector.load %arg2[%get3A_9, %get3A_10, %get3A_11] : memref<2x2000x16xf32, #tpu.memory_space<vmem>>, vector<1x2000x16xf32>
    %get3A_13 = vector.shape_cast %get3A_12 : vector<1x2000x16xf32> to vector<2000x16xf32>
    %slice3A = vector.extract_strided_slice %get3A_13 {offsets = [0, 0], sizes = [2000, 1], strides = [1, 1]} : vector<2000x16xf32> to vector<2000x1xf32>
    %get3A_14 = arith.constant 1 : index
    %get3A_15 = arith.constant 0 : index
    %get3A_16 = arith.constant 0 : index
    %get3A_17 = vector.load %arg2[%get3A_14, %get3A_15, %get3A_16] : memref<2x2000x16xf32, #tpu.memory_space<vmem>>, vector<1x2000x16xf32>
    %get3A_18 = vector.shape_cast %get3A_17 : vector<1x2000x16xf32> to vector<2000x16xf32>
    %slice3A_19 = vector.extract_strided_slice %get3A_18 {offsets = [0, 0], sizes = [2000, 1], strides = [1, 1]} : vector<2000x16xf32> to vector<2000x1xf32>
    %add3A_20 = arith.addf %slice3A, %slice3A_19 : vector<2000x1xf32>
    %max3A = arith.constant 1.000000e+00 : f32
    %max3A_21 = vector.broadcast %max3A : f32 to vector<2000x1xf32>
    %max3A_22 = arith.maximumf %add3A_20, %max3A_21 : vector<2000x1xf32>
    %div3A = vector.broadcast %max3A_22 : vector<2000x1xf32> to vector<2000x128xf32>
    %div3A_23 = arith.divf %add3A, %div3A : vector<2000x128xf32>
    %get3A_24 = arith.constant 0 : index
    %get3A_25 = arith.constant 0 : index
    %get3A_26 = vector.load %arg3[%get3A_24, %get3A_25] : memref<1x1xf32, #tpu.memory_space<vmem>>, vector<1x1xf32>
    %get3A_27 = vector.extract %get3A_26[0, 0] : f32 from vector<1x1xf32>
    %add3A_28 = vector.broadcast %get3A_27 : f32 to vector<2000x128xf32>
    %add3A_29 = arith.addf %div3A_23, %add3A_28 : vector<2000x128xf32>
    %swap3A = arith.constant 0 : index
    %swap3A_30 = arith.constant 0 : index
    %swap3A_31 = vector.load %arg4[%swap3A, %swap3A_30] : memref<2000x128xf32, #tpu.memory_space<vmem>>, vector<2000x128xf32>
    tpu.vector_store %arg4[%swap3A, %swap3A_30], %add3A_29 {strides = array<i32>} : memref<2000x128xf32, #tpu.memory_space<vmem>>, vector<2000x128xf32>,
    return
  }
  func.func @transform_0(%arg0: i32) -> (i32, i32, i32) {
    %c0_i32 = arith.constant 0 : i32
    %c0_i32_0 = arith.constant 0 : i32
    %c0_i32_1 = arith.constant 0 : i32
    return %c0_i32, %arg0, %c0_i32_0 : i32, i32, i32
  }
  func.func @transform_1(%arg0: i32) -> (i32, i32, i32) {
    %c0_i32 = arith.constant 0 : i32
    %c0_i32_0 = arith.constant 0 : i32
    %c0_i32_1 = arith.constant 0 : i32
    return %c0_i32, %arg0, %c0_i32_0 : i32, i32, i32
  }
  func.func @transform_2(%arg0: i32) -> (i32, i32) {
    %c0_i32 = arith.constant 0 : i32
    %c0_i32_0 = arith.constant 0 : i32
    %c0_i32_1 = arith.constant 0 : i32
    return %c0_i32, %c0_i32_0 : i32, i32
  }
  func.func @transform_3(%arg0: i32) -> (i32, i32) {
    %c0_i32 = arith.constant 0 : i32
    %c0_i32_0 = arith.constant 0 : i32
    return %arg0, %c0_i32 : i32, i32
  }
}

</mosaic_0001>

<sc_bundles>
// kernel: kernel.5.cloned.1.call-start
scs
__scs_entry_jumppad:
0x0: {  	(pc) =	sbr.rel $0x88, $3  }
0x1: {  	(tag) =	ssettag $0x0;
	lr =	simm.s32 $0x1  }
0x2: {  	[smem:$0x3F9C] =	sst lr;
	_ =	strace $0xD0000000  }
0x3: {  	_ = 	snop  }
0x4: {  	_ = 	snop  }
0x5: {  	_ = 	snop  }
0x6: {  	_ = 	snop  }
0x7: {  	_ = 	snop  }
__scs_overlays_trampoline_lowered:
0x8: {  	[smem:$0x3FAB] =	sst s0  }
0x9: {  	[smem:$0x3FAC] =	sst s1  }
0xa: {  	[smem:$0x3FAD] =	sst s2  }
0xb: {  	[smem:$0x3FAE] =	sst s3  }
0xc: {  	[smem:$0x3FAF] =	sst s4  }
0xd: {  	[smem:$0x3FB0] =	sst s5  }
0xe: {  	[smem:$0x3FB1] =	sst s6  }
0xf: {  	[smem:$0x3FB2] =	sst s7  }
0x10: {  	[smem:$0x3FB3] =	sst s8  }
0x11: {  	[smem:$0x3FB4] =	sst s9;
	s0 =	simm.s32 @!p0 $0x0  }
0x12: {  	s1 =	sld [smem:$0x3F9A];
	s0 =	simm.s32 @p0 $0x1  }
0x13: {  	[smem:$0x3FB5] =	sst s0;
	s0 =	simm.s32 @!p1 $0x0  }
0x14: {  	s2 =	sld [smem:$0x3F99];
	s0 =	simm.s32 @p1 $0x1  }
0x15: {  	[smem:$0x3FB6] =	sst s0;
	s0 =	simm.s32 @!p2 $0x0  }
0x16: {  	s3 =	sld [smem:$0x3FDB];
	s0 =	simm.s32 @p2 $0x1  }
0x17: {  	s4 =	simm.s32 $0x1BF5;
	[smem:$0x3FB8] =	sst s0  }
0x18: {  	s0 =	sld [smem:$0x3F9B];
	_ =	swait.ge [sflag:s4], $0x0  }
0x19: {  	s7 =	sld [smem:$0x3F9C]  }
0x1a: {  	s8 =	sadd.s32 $0xFFFFE003, lr  }
0x1b: {  	s9 =	sadd.s32 $0xFFFFFEF7, lr;
	s5 =	simm.s32 $0xFFFFFFFF;
	p2 =	slt.u32 s8, $0xFFFFF086  }
0x1c: {  	p1 =	slt.u32 s9, $0xF7A;
	s5 =	simm.s32 @!p2 $0x0  }
0x1d: {  	s5 =	simm.s32 @p1 $0x1;
	p0 =	seq.s32 s7, s2  }
0x1e: {  	s7 =	smul.u32 @!p0 $0xF7A, s2;
	p2 =	seq.s32 @!p0 s5, $0x0  }
0x1f: {  	s9 =	smul.u32 $0xF7A, s1;
	s8 =	simm.s32 @!p0 $0x1BF5;
	p2 =	por !p2, p0  }
0x20: {  	[sflag:s8] =	ssyncset.s32 @!p0 $0xFFFFF086;
	s6 =	sadd.s32 @!p0 s3, s7;
	s7 =	simm.s32 @!p0 $0x108  }
0x21: {  	s3 =	sadd.s32 s3, s9;
	s6 =	sadd.s32 @!p0 $0x88, s6;
	s7 =	simm.s32 @p2 $0x1082  }
0x22: {  	[simem:s7], [sflag:s8] =	dma.local @!p0 [hbm:s6], $0xF7A  }
0x23: {  	s9 =	sor.u32 $0xD0000000, s2;
	s6 =	simm.s32 $0x108;
	_ =	swait.ge @!p0 [sflag:s8], $0x0  }
0x24: {  	s3 =	sadd.s32 $0x88, s3;
	s6 =	simm.s32 @!p1 $0x1082;
	[sflag:s4] =	ssyncset.s32 $0xFFFFF086  }
0x25: {  	[simem:s6], [sflag:s4] =	dma.local [hbm:s3], $0xF7A  }
0x26: {  	[smem:$0x3F9C] =	sst s1;
	(tag) =	ssettag s2;
	_ =	strace s9  }
0x27: {  	s1 =	sld [smem:$0x3FAC]  }
0x28: {  	s2 =	sld [smem:$0x3FAD]  }
0x29: {  	s4 =	sld [smem:$0x3FAF]  }
0x2a: {  	p0 =	seq.s32 s5, $0x0;
	s5 =	sld [smem:$0x3FB0]  }
0x2b: {  	s6 =	sld [smem:$0x3FB1]  }
0x2c: {  	s7 =	sld [smem:$0x3FB2]  }
0x2d: {  	s3 =	simm.s32 $0x108;
	s8 =	sld [smem:$0x3FB3]  }
0x2e: {  	s3 =	simm.s32 @!p0 $0x1082;
	s9 =	sld [smem:$0x3FB4]  }
0x2f: {  	lr =	sadd.s32 s0, s3;
	s0 =	sld [smem:$0x3FAB]  }
0x30: {  	s3 =	sld [smem:$0x3FAE]  }
0x31: {  	[smem:$0x3FB7] =	sst s10  }
0x32: {  	s10 =	sld [smem:$0x3FB5];
	_ =	sdelay $0x3  }
0x33: {  	p0 =	seq.s32 s10, $0x1;
	s10 =	sld [smem:$0x3FB7];
	_ =	sdelay $0x3  }
0x34: {  	[smem:$0x3FB7] =	sst s10  }
0x35: {  	s10 =	sld [smem:$0x3FB6];
	_ =	sdelay $0x3  }
0x36: {  	p1 =	seq.s32 s10, $0x1;
	s10 =	sld [smem:$0x3FB7];
	_ =	sdelay $0x3  }
0x37: {  	[smem:$0x3FB7] =	sst s10  }
0x38: {  	s10 =	sld [smem:$0x3FB8]  }
0x39: {  	_ = 	snop;
	(pc) =	sbr.ind lr, $3  }
0x3a: {  	_ = 	snop  }
0x3b: {  	_ = 	snop  }
0x3c: {  	p2 =	seq.s32 s10, $0x1;
	s10 =	sld [smem:$0x3FB7]  }
0x3d: {  	_ =	shalt  }
0x3e: {  	_ =	shalt  }
0x3f: {  	_ =	shalt  }
0x40: {  	_ =	shalt  }
0x41: {  	_ =	shalt  }
0x42: {  	_ =	shalt  }
0x43: {  	_ =	shalt  }
0x44: {  	_ =	shalt  }
0x45: {  	_ =	shalt  }
0x46: {  	_ =	shalt  }
0x47: {  	_ =	shalt  }
0x48: {  	_ =	shalt  }
0x49: {  	_ =	shalt  }
0x4a: {  	_ =	shalt  }
0x4b: {  	_ =	shalt  }
0x4c: {  	_ =	shalt  }
0x4d: {  	_ =	shalt  }
0x4e: {  	_ =	shalt  }
0x4f: {  	_ =	shalt  }
0x50: {  	_ =	shalt  }
0x51: {  	_ =	shalt  }
0x52: {  	_ =	shalt  }
0x53: {  	_ =	shalt  }
0x54: {  	_ =	shalt  }
0x55: {  	_ =	shalt  }
0x56: {  	_ =	shalt  }
0x57: {  	_ =	shalt  }
0x58: {  	_ =	shalt  }
0x59: {  	_ =	shalt  }
0x5a: {  	_ =	shalt  }
0x5b: {  	_ =	shalt  }
0x5c: {  	_ =	shalt  }
0x5d: {  	_ =	shalt  }
0x5e: {  	_ =	shalt  }
0x5f: {  	_ =	shalt  }
0x60: {  	_ =	shalt  }
0x61: {  	_ =	shalt  }
0x62: {  	_ =	shalt  }
0x63: {  	_ =	shalt  }
0x64: {  	_ =	shalt  }
0x65: {  	_ =	shalt  }
0x66: {  	_ =	shalt  }
0x67: {  	_ =	shalt  }
0x68: {  	_ =	shalt  }
0x69: {  	_ =	shalt  }
0x6a: {  	_ =	shalt  }
0x6b: {  	_ =	shalt  }
0x6c: {  	_ =	shalt  }
0x6d: {  	_ =	shalt  }
0x6e: {  	_ =	shalt  }
0x6f: {  	_ =	shalt  }
0x70: {  	_ =	shalt  }
0x71: {  	_ =	shalt  }
0x72: {  	_ =	shalt  }
0x73: {  	_ =	shalt  }
0x74: {  	_ =	shalt  }
0x75: {  	_ =	shalt  }
0x76: {  	_ =	shalt  }
0x77: {  	_ =	shalt  }
0x78: {  	_ =	shalt  }
0x79: {  	_ =	shalt  }
0x7a: {  	_ =	shalt  }
0x7b: {  	_ =	shalt  }
0x7c: {  	_ =	shalt  }
0x7d: {  	_ =	shalt  }
0x7e: {  	_ =	shalt  }
0x7f: {  	_ =	shalt  }
0x80: {  	_ =	shalt  }
0x81: {  	_ =	shalt  }
0x82: {  	_ =	shalt  }
0x83: {  	_ =	shalt  }
0x84: {  	_ =	shalt  }
0x85: {  	_ =	shalt  }
0x86: {  	_ =	shalt  }
0x87: {  	_ =	shalt  }
.Lfunc_end0:
.L_simem_size_0:
called_computation_lowered:
.L_overlay_start_0:
0x88: {  	s2 =	sld [smem:$0x3FD9]  }
0x89: {  	s3 =	sld [smem:$0x3FFE];
	_ =	sdelay $0x1  }
0x8a: {  	s1 =	srdreg.scid  }
0x8b: {  	s0 =	sand.u32 $0x1, s1  }
0x8c: {  	s17 =	sshll.u32 s0, $0xA;
	s2 =	sadd.s32 s3, s2  }
0x8d: {  	s2 =	sadd.s32 s2, s17  }
0x8e: {  	[smem:$0x3FC3] =	sst s2  }
0x8f: {  	_ = 	snop  }
0x90: {  	s2 =	sld [smem:$0x3FD0];
	(tm) =	ssettm $0x1  }
0x91: {  	s18 =	sld [smem:$0x3FFB];
	_ =	sdelay $0x3  }
0x92: {  	_ =	strace s18  }
0x93: {  	s3 =	sld [smem:$0x3FFC];
	_ =	sdelay $0x3  }
0x94: {  	_ =	strace s3  }
0x95: {  	s3 =	sld [smem:$0x3FFD];
	_ =	sdelay $0x3  }
0x96: {  	_ =	strace s3  }
0x97: {  	_ =	strace $0x8FFFFFFF  }
0x98: {  	s19 =	sld [smem:$0x3FDB];
	_ =	sdelay $0x1  }
0x99: {  	s4 =	simm.s32 $_scs_section_size  }
0x9a: {  	s5 =	simm.s32 $_size__tile_overlayer_lowered;
	s6 =	simm.s32 $_tile_overlayer_lowered  }
0x9b: {  	s22 =	simm.s32 $0x1BFF;
	s21 =	sshll.u32 s6, $0x1;
	s3 =	sadd.s32 s4, s19  }
0x9c: {  	s7 =	simm.s32 $0x0;
	s20 =	sshll.u32 s5, $0x1;
	s5 =	sadd.s32 s21, s3  }
0x9d: {  	[timem:s7], [sflag:s22] =	dma.local [hbm:s5], s20  }
0x9e: {  	_ =	swait.ge [sflag:s22], s20  }
0x9f: {  	s4 =	ssub.s32 $0x0, s20;
	[sflag:s22] =	ssyncset.done $0x0  }
0xa0: {  	[sflag:s22] =	ssyncadd.s32 s4;
	_ =	sdelay $0x1  }
0xa1: {  	s23 =	simm.s32 $0x1B8B  }
0xa2: {  	_ =	swait.ge [sflag:s23], $0x1  }
0xa3: {  	[sflag:s23] =	ssyncset.done $0x0  }
0xa4: {  	s25 =	simm.s32 $0x1B8E;
	s24 =	sld [smem:$0x3FFE];
	[sflag:s23] =	ssyncadd.s32 $0xFFFFFFFF  }
0xa5: {  	s26 =	simm.s32 $execute0_lowered;
	[smem:$0x3FD2] =	sst s25  }
0xa6: {  	s5 =	sshll.u32 s26, $0x1;
	_ =	strace $0x80000046;
	[dreg:$0x1] =	wrdreg $0xFFFFFFFF  }
0xa7: {  	s28 =	simm.s32 $_size_execute0_lowered;
	s3 =	sadd.s32 s3, s5;
	[dreg:$0x0] =	wrdreg $0x0  }
0xa8: {  	s5 =	sshll.u32 s28, $0x1;
	[dreg:$0x2] =	wrdreg s3  }
0xa9: {  	[dreg:$0x3] =	wrdreg s5  }
0xaa: {  	[dreg:$0x4] =	wrdreg $0xC0  }
0xab: {  	_ =	task [dreg:s7], $0x5FFFF  }
0xac: {  	[dreg:$0x1] =	wrdreg $0xFFFFFFFF  }
0xad: {  	[dreg:$0x0] =	wrdreg $0x60  }
0xae: {  	[dreg:$0x2] =	wrdreg s2  }
0xaf: {  	[dreg:$0x3] =	wrdreg s24  }
0xb0: {  	[dreg:$0x4] =	wrdreg $0x0  }
0xb1: {  	[dreg:$0x5] =	wrdreg $0x138800  }
0xb2: {  	[dreg:$0x6] =	wrdreg $0x9  }
0xb3: {  	_ =	task.clear_ibuf [dreg:s7], $0x7FFFF;
	_ =	strace $0x90000046  }
0xb4: {  	s29 =	simm.s32 $0x9;
	_ =	strace $0x80000048  }
0xb5: {  	_ =	swait.ge [sflag:s29], $0x1  }
0xb6: {  	[sflag:s29] =	ssyncadd.s32 $0xFFFFFFFF  }
0xb7: {  	_ =	strace $0x90000048  }
0xb8: {  	_ =	sfence  }
0xb9: {  	s30 =	sld [smem:$0x0];
	_ =	sdelay $0x2  }
0xba: {  	s31 =	sshll.u32 s1, $0xD;
	s1 =	sshrl.u32 s1, $0x2  }
0xbb: {  	s3 =	sand.u32 $0x4000, s31;
	s1 =	sadd.s32 s1, s30  }
0xbc: {  	s0 =	sor.u32 s3, s0;
	s1 =	sshll.u32 s1, $0x11  }
0xbd: {  	s0 =	sor.u32 s1, s0  }
0xbe: {  	s0 =	sadd.s32 $0x8F2B, s0  }
0xbf: {  	[sflag:s0] =	ssyncadd.remote.s32 $0x1  }
0xc0: {  	_ =	sfence.sel $0xFFFF  }
0xc1: {  	[dreg:$0x0] =	wrdreg $0xFFFFFFFF;
	(pc) =	sbr.abs _section_cstart, $3  }
0xc2: {  	[dreg:$0x1] =	wrdreg $0xFFFFFFFF  }
0xc3: {  	_ =	task.clear_ibuf [dreg:s7], $0x2FFFF;
	_ =	strace $0x9FFFFFFF  }
0xc4: {  	(tm) =	ssettm $0x7FFFFFFF  }
0xc5: {  	_ =	shalt  }
tec
execute0_lowered:
.L_overlay_start_1:
0x0: {  	(tag) =	ssettag $0x1  }
0x1: {  	s1 =	rddreg [dreg:$0x0]  }
0x2: {  	s0 =	srdreg.scid;
	s2 =	rddreg [dreg:$0x1]  }
0x3: {  	s16 =	stileid.u32;
	s3 =	rddreg [dreg:$0x2]  }
0x4: {  	s13 =	simm.s32 $0x0;
	s28 =	simm.s32 $0x1ADB0;
	s29 =	simm.s32 $0x28  }
0x5: {  	s30 =	simm.s32 $0x1B030;
	s0 =	sand.u32 $0x1, s0;
	s4 =	sshll.u32 s16, $0x1  }
0x6: {  	s7 =	smul.u32 $0x13800, s16;
	[smem:$0x7FF] =	sst s13;
	s14 =	sadd.s32 $0x14A00, s2  }
0x7: {  	s10 =	sadd.s32 $0x45C00, s2;
	s13 =	sadd.s32 $0x3BE00, s2;
	s17 =	sshll.u32 s16, $0x6  }
0x8: {  	s19 =	sadd.s32 $0x138000, s3;
	s12 =	sadd.s32 $0x3BC00, s2;
	p0 =	sne.s32 s16, $0xF  }
0x9: {  	s5 =	sor.u32 s0, s4;
	s4 =	rddreg [dreg:$0x3];
	_ =	strace $0x80000047  }
0xa: {  	s9 =	ssub.s32 $0x2, s0;
	[dreg:$0x5] =	wrdreg s14;
	s14 =	smul.u32 $0x2700, s16  }
0xb: {  	[dreg:$0x8] =	wrdreg s19;
	s6 =	smul.u32 $0x2710, s5;
	s8 =	sshrl.u32 s7, $0x3  }
0xc: {  	s11 =	sshrl.u32 s9, $0x1;
	s15 =	sadd.s32 s7, s3;
	s21 =	sadd.s32 $0x27000, s4  }
0xd: {  	s8 =	sadd.s32 s8, s2;
	s11 =	ssub.s32 s9, s11;
	[dreg:$0x6] =	wrdreg s15  }
0xe: {  	s15 =	smul.u32 $0x138800, s0;
	s9 =	sor.u32 $0x1C0A, s17;
	s18 =	sadd.s32 s14, s4  }
0xf: {  	[dreg:$0x9] =	wrdreg s21;
	s0 =	smul.u32 $0x27100, s0;
	s21 =	simm.s32 $0xA  }
0x10: {  	s17 =	simm.s32 $0x0;
	s6 =	sshrl.u32 s6, $0x3;
	s8 =	sadd.s32 $0x14C00, s8  }
0x11: {  	[dreg:$0x7] =	wrdreg s18;
	s31 =	smax.u32 s11, $0x1;
	s11 =	simm.s32 $0x8  }
0x12: {  	s6 =	sadd.s32 s6, s2;
	s20 =	sadd.s32 s7, s15;
	s24 =	sadd.s32 s14, s0  }
0x13: {  	s25 =	sshrl.u32 s15, $0x3;
	s0 =	sshrl.u32 s0, $0x3;
	[dreg:$0x10] =	wrdreg s31  }
0x14: {  	s7 =	simm.s32 $0x3;
	s14 =	simm.s32 $0x9;
	s2 =	sshrl.u32 s20, $0x3  }
0x15: {  	s22 =	sadd.s32 $0x1000, s6;
	s23 =	sadd.s32 $0xAC40, s6;
	s6 =	sadd.s32 s10, s25  }
0x16: {  	s0 =	sadd.s32 s13, s0;
	s25 =	simm.s32 $0x15F90;
	[dreg:$0xa] =	wrdreg s22  }
0x17: {  	[dreg:$0xb] =	wrdreg s23;
	s2 =	sadd.s32 s10, s2;
	s26 =	sadd.s32 $0x27000, s6  }
0x18: {  	s0 =	sadd.s32 $0x4E00, s0;
	s22 =	simm.s32 $0x1;
	[dreg:$0xc] =	wrdreg s2  }
0x19: {  	s23 =	simm.s32 $0x2;
	s6 =	simm.s32 $0x7;
	[dreg:$0xe] =	wrdreg s26  }
0x1a: {  	s10 =	simm.s32 $0x5;
	s2 =	sshrl.u32 s24, $0x3;
	[dreg:$0xf] =	wrdreg s0  }
0x1b: {  	s24 =	simm.s32 $0x1D830;
	s0 =	simm.s32 $0x4;
	s2 =	sadd.s32 s13, s2  }
0x1c: {  	s13 =	simm.s32 $0x6;
	[dreg:$0xd] =	wrdreg s2;
	s2 =	simm.s32 $0x1C430  }
.LBB2_1:
0x1d: {  	s5 =	rddreg [dreg:$0x6]  }
0x1e: {  	s18 =	sshrl.u32 s5, $0x3  }
0x1f: {  	[spmem:s18], [sflag:s9] =	dma.local [hbm:s8], $0x2700  }
0x20: {  	_ =	swait.ge [sflag:s21], $0x2700  }
0x21: {  	[sflag:s21] =	ssyncset.done $0x0;
	s26 =	rddreg [dreg:$0x7]  }
0x22: {  	s15 =	simm.s32 $0x10;
	[sflag:s21] =	ssyncadd.s32 $0xFFFFD900;
	s19 =	sshrl.u32 s26, $0x3  }
0x23: {  	[spmem:s19@s23], [sflag:s9] =	dma.strided [hbm:s8@s15], $0x4E0, s22, $0x2   }
0x24: {  	_ =	swait.ge [sflag:s21], $0x4E0  }
0x25: {  	[sflag:s21] =	ssyncset.done $0x0;
	s5 =	rddreg [dreg:$0x8]  }
0x26: {  	s15 =	simm.s32 @!p0 $0xA;
	[sflag:s21] =	ssyncadd.s32 $0xFFFFFB20;
	s20 =	sshrl.u32 @!p0 s5, $0x3  }
0x27: {  	[spmem:s20], [sflag:s9] =	dma.local @!p0 [hbm:s12], $0x100  }
0x28: {  	s31 =	simm.s32 @!p0 $0x1;
	_ =	swait.ge @!p0 [sflag:s15], $0x100  }
0x29: {  	s16 =	simm.s32 @!p0 $0x2;
	[sflag:s15] =	ssyncset.done @!p0 $0x0;
	s5 =	rddreg [dreg:$0x9]  }
0x2a: {  	[sflag:s15] =	ssyncadd.s32 @!p0 $0xFFFFFF00;
	s26 =	sshrl.u32 @!p0 s5, $0x3;
	s5 =	simm.s32 @!p0 $0x10  }
0x2b: {  	[spmem:s26@s16], [sflag:s9] =	dma.strided @!p0 [hbm:s12@s5], $0x20, s31, $0x2   }
0x2c: {  	_ =	swait.ge @!p0 [sflag:s15], $0x20  }
0x2d: {  	[sflag:s15] =	ssyncset.done @!p0 $0x0  }
0x2e: {  	s5 =	simm.s32 $0x0;
	s16 =	rddreg [dreg:$0xa];
	[sflag:s15] =	ssyncadd.s32 @!p0 $0xFFFFFFE0  }
0x2f: {  	[tilespmem:s25], [sflag:$0xA] =	stream.linear.gather [hbm4b:s16+s5], $0x2710, $0x38;
	[tilespmem:$0x1EC30] =	vst v63  }
0x30: {  	_ =	swait.ge [sflag:s21], $0x2710  }
0x31: {  	[sflag:s21] =	ssyncset.done $0x0  }
0x32: {  	s16 =	simm.s32 $0x186A0;
	s15 =	rddreg [dreg:$0xb];
	[sflag:s21] =	ssyncadd.s32 $0xFFFFD8F0  }
0x33: {  	[tilespmem:s16], [sflag:$0xA] =	stream.linear.gather [hbm4b:s15+s5], $0x2710, $0x38;
	[tilespmem:$0x1EC30] =	vst v63  }
0x34: {  	_ =	swait.ge [sflag:s21], $0x2710  }
0x35: {  	[sflag:s21] =	ssyncset.done $0x0  }
0x36: {  	s15 =	rddreg [dreg:$0x5];
	[sflag:s21] =	ssyncadd.s32 $0xFFFFD8F0  }
0x37: {  	[tilespmem:s28], [sflag:$0xA] =	stream.linear.gather [hbm4b:s15+s5], $0x280, $0x38;
	[tilespmem:$0x1EC30] =	vst v63  }
0x38: {  	_ =	swait.ge [sflag:s21], $0x280  }
0x39: {  	[sflag:s21] =	ssyncset.done $0x0  }
0x3a: {  	[sflag:s21] =	ssyncadd.s32 $0xFFFFFD80  }
0x3b: {  	[bflag:$0x0] =	sbarrier.arrive $0xFFFF  }
0x3c: {  	[tilespmem:s30], [sflag:$0x1] =	stream.indirect.gather [hbm4b:s1+s29], $0x80, s16, s29, $0xb8;
	[tilespmem:$0x1EC30] =	vst v63  }
0x3d: {  	s16 =	simm.s32 $0x186C8  }
0x3e: {  	[tilespmem:s2], [sflag:$0x2] =	stream.indirect.gather [hbm4b:s1+s29], $0x80, s16, s29, $0xb8;
	[tilespmem:$0x1EC30] =	vst v63  }
0x3f: {  	_ =	swait.ge [sflag:s22], $0x1400  }
0x40: {  	[sflag:s22] =	ssyncset.done $0x0  }
0x41: {  	[sflag:s22] =	ssyncadd.s32 $0xFFFFEC00  }
0x42: {  	[spmem:s3] =	stream.indirect.scatter.add.f32 [tilespmem:s30], [sflag:$0x4], $0x80, s25, s29, $0xb8;
	[tilespmem:$0x1EC30] =	vst v63  }
0x43: {  	_ = 	snop  }
0x44: {  	[spmem:s4] =	stream.indirect.scatter.add.f32 [tilespmem:s28], [sflag:$0x7], $0x10, s25, s29, $0xb8;
	[tilespmem:$0x1EC30] =	vst v63  }
0x45: {  	s15 =	simm.s32 $0x186F0  }
0x46: {  	[tilespmem:s24], [sflag:$0x3] =	stream.indirect.gather [hbm4b:s1+s29], $0x80, s15, s29, $0xb8;
	[tilespmem:$0x1EC30] =	vst v63  }
0x47: {  	_ =	swait.ge [sflag:s23], $0x1400  }
0x48: {  	[sflag:s23] =	ssyncset.done $0x0  }
0x49: {  	s16 =	simm.s32 $0x15FB8;
	[sflag:s23] =	ssyncadd.s32 $0xFFFFEC00  }
0x4a: {  	[spmem:s3] =	stream.indirect.scatter.add.f32 [tilespmem:s2], [sflag:$0x5], $0x80, s16, s29, $0xb8;
	[tilespmem:$0x1EC30] =	vst v63  }
0x4b: {  	_ = 	snop  }
0x4c: {  	[spmem:s4] =	stream.indirect.scatter.add.f32 [tilespmem:s28], [sflag:$0x8], $0x10, s16, s29, $0xb8;
	[tilespmem:$0x1EC30] =	vst v63  }
0x4d: {  	_ =	swait.ge [sflag:s0], $0x1400  }
0x4e: {  	[sflag:s0] =	ssyncset.done $0x0  }
0x4f: {  	[sflag:s0] =	ssyncadd.s32 $0xFFFFEC00  }
0x50: {  	_ =	swait.ge [sflag:s6], $0x280  }
0x51: {  	[sflag:s6] =	ssyncset.done $0x0  }
0x52: {  	s15 =	simm.s32 $0x18718;
	[sflag:s6] =	ssyncadd.s32 $0xFFFFFD80  }
0x53: {  	[tilespmem:s30], [sflag:$0x1] =	stream.indirect.gather [hbm4b:s1+s29], $0x80, s15, s29, $0xb8;
	[tilespmem:$0x1EC30] =	vst v63  }
0x54: {  	_ =	swait.ge [sflag:s7], $0x1400  }
0x55: {  	[sflag:s7] =	ssyncset.done $0x0  }
0x56: {  	s16 =	simm.s32 $0x15FE0;
	[sflag:s7] =	ssyncadd.s32 $0xFFFFEC00  }
0x57: {  	[spmem:s3] =	stream.indirect.scatter.add.f32 [tilespmem:s24], [sflag:$0x6], $0x80, s16, s29, $0xb8;
	[tilespmem:$0x1EC30] =	vst v63  }
0x58: {  	_ = 	snop  }
0x59: {  	[spmem:s4] =	stream.indirect.scatter.add.f32 [tilespmem:s28], [sflag:$0x9], $0x10, s16, s29, $0xb8;
	[tilespmem:$0x1EC30] =	vst v63  }
0x5a: {  	_ =	swait.ge [sflag:s10], $0x1400  }
0x5b: {  	[sflag:s10] =	ssyncset.done $0x0  }
0x5c: {  	[sflag:s10] =	ssyncadd.s32 $0xFFFFEC00  }
0x5d: {  	_ =	swait.ge [sflag:s11], $0x280  }
0x5e: {  	[sflag:s11] =	ssyncset.done $0x0  }
0x5f: {  	s15 =	simm.s32 $0x18740;
	[sflag:s11] =	ssyncadd.s32 $0xFFFFFD80  }
0x60: {  	[tilespmem:s2], [sflag:$0x2] =	stream.indirect.gather [hbm4b:s1+s29], $0x80, s15, s29, $0xb8;
	[tilespmem:$0x1EC30] =	vst v63  }
0x61: {  	_ =	swait.ge [sflag:s22], $0x1400  }
0x62: {  	[sflag:s22] =	ssyncset.done $0x0  }
0x63: {  	s16 =	simm.s32 $0x16008;
	[sflag:s22] =	ssyncadd.s32 $0xFFFFEC00  }
0x64: {  	[spmem:s3] =	stream.indirect.scatter.add.f32 [tilespmem:s30], [sflag:$0x4], $0x80, s16, s29, $0xb8;
	[tilespmem:$0x1EC30] =	vst v63  }
0x65: {  	_ = 	snop  }
0x66: {  	[spmem:s4] =	stream.indirect.scatter.add.f32 [tilespmem:s28], [sflag:$0x7], $0x10, s16, s29, $0xb8;
	[tilespmem:$0x1EC30] =	vst v63  }
0x67: {  	_ =	swait.ge [sflag:s13], $0x1400  }
0x68: {  	[sflag:s13] =	ssyncset.done $0x0  }
0x69: {  	[sflag:s13] =	ssyncadd.s32 $0xFFFFEC00  }
0x6a: {  	_ =	swait.ge [sflag:s14], $0x280  }
0x6b: {  	[sflag:s14] =	ssyncset.done $0x0  }
0x6c: {  	s15 =	simm.s32 $0x18768;
	[sflag:s14] =	ssyncadd.s32 $0xFFFFFD80  }
0x6d: {  	[tilespmem:s24], [sflag:$0x3] =	stream.indirect.gather [hbm4b:s1+s29], $0x80, s15, s29, $0xb8;
	[tilespmem:$0x1EC30] =	vst v63  }
0x6e: {  	_ =	swait.ge [sflag:s23], $0x1400  }
0x6f: {  	[sflag:s23] =	ssyncset.done $0x0  }
0x70: {  	s16 =	simm.s32 $0x16030;
	[sflag:s23] =	ssyncadd.s32 $0xFFFFEC00  }
0x71: {  	[spmem:s3] =	stream.indirect.scatter.add.f32 [tilespmem:s2], [sflag:$0x5], $0x80, s16, s29, $0xb8;
	[tilespmem:$0x1EC30] =	vst v63  }
0x72: {  	_ = 	snop  }
0x73: {  	[spmem:s4] =	stream.indirect.scatter.add.f32 [tilespmem:s28], [sflag:$0x8], $0x10, s16, s29, $0xb8;
	[tilespmem:$0x1EC30] =	vst v63  }
0x74: {  	_ =	swait.ge [sflag:s0], $0x1400  }
0x75: {  	[sflag:s0] =	ssyncset.done $0x0  }
0x76: {  	[sflag:s0] =	ssyncadd.s32 $0xFFFFEC00  }
0x77: {  	_ =	swait.ge [sflag:s6], $0x280  }
0x78: {  	[sflag:s6] =	ssyncset.done $0x0  }
0x79: {  	s31 =	simm.s32 $0x1E0;
	s15 =	simm.s32 $0x18790;
	[sflag:s6] =	ssyncadd.s32 $0xFFFFFD80  }
.LBB2_2:
0x7a: {  	[tilespmem:s30], [sflag:$0x1] =	stream.indirect.gather [hbm4b:s1+s29], $0x80, s15, s29, $0xb8;
	[tilespmem:$0x1EC30] =	vst v63  }
0x7b: {  	s5 =	smov.u32 s31  }
0x7c: {  	p1 =	sne.s32 s31, $0x97E0;
	s31 =	sadd.s32 $0x1E0, s31;
	_ =	swait.ge [sflag:s7], $0x1400  }
0x7d: {  	s15 =	sshra.s32 s5, $0x2;
	[sflag:s7] =	ssyncset.done $0x0  }
0x7e: {  	s5 =	sadd.s32 $0x15FE0, s15;
	[sflag:s7] =	ssyncadd.s32 $0xFFFFEC00  }
0x7f: {  	[spmem:s3] =	stream.indirect.scatter.add.f32 [tilespmem:s24], [sflag:$0x6], $0x80, s5, s29, $0xb8;
	[tilespmem:$0x1EC30] =	vst v63  }
0x80: {  	_ = 	snop  }
0x81: {  	[spmem:s4] =	stream.indirect.scatter.add.f32 [tilespmem:s28], [sflag:$0x9], $0x10, s5, s29, $0xb8;
	[tilespmem:$0x1EC30] =	vst v63  }
0x82: {  	_ =	swait.ge [sflag:s10], $0x1400  }
0x83: {  	[sflag:s10] =	ssyncset.done $0x0  }
0x84: {  	[sflag:s10] =	ssyncadd.s32 $0xFFFFEC00  }
0x85: {  	_ =	swait.ge [sflag:s11], $0x280  }
0x86: {  	[sflag:s11] =	ssyncset.done $0x0  }
0x87: {  	s5 =	sadd.s32 $0x18740, s15;
	[sflag:s11] =	ssyncadd.s32 $0xFFFFFD80  }
0x88: {  	[tilespmem:s2], [sflag:$0x2] =	stream.indirect.gather [hbm4b:s1+s29], $0x80, s5, s29, $0xb8;
	[tilespmem:$0x1EC30] =	vst v63  }
0x89: {  	_ =	swait.ge [sflag:s22], $0x1400  }
0x8a: {  	[sflag:s22] =	ssyncset.done $0x0  }
0x8b: {  	s5 =	sadd.s32 $0x16008, s15;
	[sflag:s22] =	ssyncadd.s32 $0xFFFFEC00  }
0x8c: {  	[spmem:s3] =	stream.indirect.scatter.add.f32 [tilespmem:s30], [sflag:$0x4], $0x80, s5, s29, $0xb8;
	[tilespmem:$0x1EC30] =	vst v63  }
0x8d: {  	_ = 	snop  }
0x8e: {  	[spmem:s4] =	stream.indirect.scatter.add.f32 [tilespmem:s28], [sflag:$0x7], $0x10, s5, s29, $0xb8;
	[tilespmem:$0x1EC30] =	vst v63  }
0x8f: {  	_ =	swait.ge [sflag:s13], $0x1400  }
0x90: {  	[sflag:s13] =	ssyncset.done $0x0  }
0x91: {  	[sflag:s13] =	ssyncadd.s32 $0xFFFFEC00  }
0x92: {  	_ =	swait.ge [sflag:s14], $0x280  }
0x93: {  	[sflag:s14] =	ssyncset.done $0x0  }
0x94: {  	s5 =	sadd.s32 $0x18768, s15;
	[sflag:s14] =	ssyncadd.s32 $0xFFFFFD80  }
0x95: {  	[tilespmem:s24], [sflag:$0x3] =	stream.indirect.gather [hbm4b:s1+s29], $0x80, s5, s29, $0xb8;
	[tilespmem:$0x1EC30] =	vst v63  }
0x96: {  	_ =	swait.ge [sflag:s23], $0x1400  }
0x97: {  	[sflag:s23] =	ssyncset.done $0x0  }
0x98: {  	s5 =	sadd.s32 $0x16030, s15;
	[sflag:s23] =	ssyncadd.s32 $0xFFFFEC00  }
0x99: {  	[spmem:s3] =	stream.indirect.scatter.add.f32 [tilespmem:s2], [sflag:$0x5], $0x80, s5, s29, $0xb8;
	[tilespmem:$0x1EC30] =	vst v63  }
0x9a: {  	_ = 	snop  }
0x9b: {  	[spmem:s4] =	stream.indirect.scatter.add.f32 [tilespmem:s28], [sflag:$0x8], $0x10, s5, s29, $0xb8;
	[tilespmem:$0x1EC30] =	vst v63  }
0x9c: {  	_ =	swait.ge [sflag:s0], $0x1400  }
.Ltmp0:
0x9d: {  	[sflag:s0] =	ssyncset.done $0x0;
	(pc) =	sbr.rel @p1 .LBB2_2-.Ltmp0, $4  }
0x9e: {  	[sflag:s0] =	ssyncadd.s32 $0xFFFFEC00  }
0x9f: {  	_ =	swait.ge [sflag:s6], $0x280  }
0xa0: {  	[sflag:s6] =	ssyncset.done $0x0  }
0xa1: {  	s15 =	sadd.s32 $0x18790, s15;
	[sflag:s6] =	ssyncadd.s32 $0xFFFFFD80  }
0xa2: {  	[tilespmem:s30], [sflag:$0x1] =	stream.indirect.gather [hbm4b:s1+s29], $0x80, s15, s29, $0xb8;
	[tilespmem:$0x1EC30] =	vst v63  }
0xa3: {  	_ =	swait.ge [sflag:s7], $0x1400  }
0xa4: {  	[sflag:s7] =	ssyncset.done $0x0  }
0xa5: {  	s5 =	simm.s32 $0x18650;
	[sflag:s7] =	ssyncadd.s32 $0xFFFFEC00  }
0xa6: {  	[spmem:s3] =	stream.indirect.scatter.add.f32 [tilespmem:s24], [sflag:$0x6], $0x80, s5, s29, $0xb8;
	[tilespmem:$0x1EC30] =	vst v63  }
0xa7: {  	_ = 	snop  }
0xa8: {  	[spmem:s4] =	stream.indirect.scatter.add.f32 [tilespmem:s28], [sflag:$0x9], $0x10, s5, s29, $0xb8;
	[tilespmem:$0x1EC30] =	vst v63  }
0xa9: {  	_ =	swait.ge [sflag:s22], $0x1400  }
0xaa: {  	[sflag:s22] =	ssyncset.done $0x0  }
0xab: {  	s15 =	simm.s32 $0x18678;
	[sflag:s22] =	ssyncadd.s32 $0xFFFFEC00  }
0xac: {  	[spmem:s3] =	stream.indirect.scatter.add.f32 [tilespmem:s30], [sflag:$0x4], $0x80, s15, s29, $0xb8;
	[tilespmem:$0x1EC30] =	vst v63  }
0xad: {  	_ = 	snop  }
0xae: {  	[spmem:s4] =	stream.indirect.scatter.add.f32 [tilespmem:s28], [sflag:$0x7], $0x10, s15, s29, $0xb8;
	[tilespmem:$0x1EC30] =	vst v63  }
0xaf: {  	_ =	swait.ge [sflag:s10], $0x1400  }
0xb0: {  	[sflag:s10] =	ssyncset.done $0x0  }
0xb1: {  	[sflag:s10] =	ssyncadd.s32 $0xFFFFEC00  }
0xb2: {  	_ =	swait.ge [sflag:s11], $0x280  }
0xb3: {  	[sflag:s11] =	ssyncset.done $0x0  }
0xb4: {  	[sflag:s11] =	ssyncadd.s32 $0xFFFFFD80  }
0xb5: {  	_ =	swait.ge [sflag:s13], $0x1400  }
0xb6: {  	[sflag:s13] =	ssyncset.done $0x0  }
0xb7: {  	[sflag:s13] =	ssyncadd.s32 $0xFFFFEC00  }
0xb8: {  	_ =	swait.ge [sflag:s14], $0x280  }
0xb9: {  	[sflag:s14] =	ssyncset.done $0x0  }
0xba: {  	[sflag:s14] =	ssyncadd.s32 $0xFFFFFD80  }
0xbb: {  	_ =	swait.ge [sflag:s0], $0x1400  }
0xbc: {  	[sflag:s0] =	ssyncset.done $0x0  }
0xbd: {  	[sflag:s0] =	ssyncadd.s32 $0xFFFFEC00  }
0xbe: {  	_ =	swait.ge [sflag:s6], $0x280  }
0xbf: {  	[sflag:s6] =	ssyncset.done $0x0  }
0xc0: {  	[sflag:s6] =	ssyncadd.s32 $0xFFFFFD80  }
0xc1: {  	[bflag:$0x0] =	sbarrier.arrive $0xFFFF  }
0xc2: {  	s16 =	rddreg [dreg:$0xc]  }
0xc3: {  	[hbm:s16], [sflag:s9] =	dma.local [spmem:s18], $0x2700  }
0xc4: {  	_ =	swait.ge [sflag:s21], $0x2700  }
0xc5: {  	[sflag:s21] =	ssyncset.done $0x0  }
0xc6: {  	s18 =	rddreg [dreg:$0xd];
	[sflag:s21] =	ssyncadd.s32 $0xFFFFD900  }
0xc7: {  	[hbm:s18], [sflag:s9] =	dma.local [spmem:s19], $0x4E0  }
0xc8: {  	_ =	swait.ge [sflag:s21], $0x4E0  }
0xc9: {  	[sflag:s21] =	ssyncset.done $0x0  }
0xca: {  	s5 =	rddreg [dreg:$0xe];
	[sflag:s21] =	ssyncadd.s32 $0xFFFFFB20  }
0xcb: {  	[hbm:s5], [sflag:s9] =	dma.local @!p0 [spmem:s20], $0x100  }
0xcc: {  	s5 =	simm.s32 @!p0 $0xA  }
0xcd: {  	_ =	swait.ge @!p0 [sflag:s5], $0x100  }
0xce: {  	[sflag:s5] =	ssyncset.done @!p0 $0x0  }
0xcf: {  	s15 =	rddreg [dreg:$0xf];
	[sflag:s5] =	ssyncadd.s32 @!p0 $0xFFFFFF00  }
0xd0: {  	[hbm:s15], [sflag:s9] =	dma.local @!p0 [spmem:s26], $0x20  }
0xd1: {  	_ =	swait.ge @!p0 [sflag:s5], $0x20  }
0xd2: {  	s17 =	sadd.s32 $0x1, s17;
	s31 =	rddreg [dreg:$0x10]  }
0xd3: {  	p1 =	sne.s32 s17, s31  }
.Ltmp1:
0xd4: {  	_ = 	snop;
	(pc) =	sbr.rel @p1 .LBB2_1-.Ltmp1, $3  }
0xd5: {  	_ =	sdelay $0x1  }
0xd6: {  	[sflag:s5] =	ssyncset.done @!p0 $0x0  }
0xd7: {  	[sflag:s5] =	ssyncadd.s32 @!p0 $0xFFFFFFE0  }
0xd8: {  	_ =	sfence.sel $0x180000  }
0xd9: {  	[bflag:$0x0] =	sbarrier.arrive $0xFFFF  }
0xda: {  	_ =	strace $0x90000047  }
0xdb: {  	s0 =	stileid.u32;
	[bflag:$0x2] =	sbarrier.arrive $0xFFFF  }
0xdc: {  	p0 =	sne.s32 s0, $0x0;
	s0 =	rddreg [dreg:$0x4]  }
0xdd: {  	s0 =	sadd.s32 @!p0 $0x100000, s0  }
0xde: {  	[sflag:s0] =	ssyncadd.tile.s32 @!p0 $0x1;
	_ =	shalt  }
.Lfunc_end2:
_tile_overlayer_lowered:
.L_overlay_start_2:
0xdf: {  	(tag) =	ssettag $0x2  }
0xe0: {  	s0 =	rddreg [dreg:$0x0];
	s2 =	stileid.u32  }
0xe1: {  	s1 =	rddreg [dreg:$0x1];
	p0 =	sne.s32 s2, $0x0  }
0xe2: {  	s3 =	rddreg [dreg:$0x2];
	[bflag:$0x3] =	sbarrier.arrive $0xFFFF;
	s2 =	simm.s32 @!p0 $0x1C0A  }
0xe3: {  	[timem:s3], [sflag:s2] =	dma.local @!p0 [hbm:s0], s1  }
0xe4: {  	s0 =	simm.s32 @!p0 $0xA  }
0xe5: {  	_ =	swait.ge @!p0 [sflag:s0], s1  }
0xe6: {  	s1 =	ssub.s32 @!p0 $0x0, s1;
	[sflag:s0] =	ssyncset.done @!p0 $0x0  }
0xe7: {  	[sflag:s0] =	ssyncadd.s32 @!p0 s1  }
0xe8: {  	[bflag:$0x3] =	sbarrier.arrive $0xFFFF  }
0xe9: {  	_ =	shalt  }

</sc_bundles>
